<compile_context>
chip_gen: v7x
topology: tpu7x:2x2x1
jax: 0.10.2.dev20260603
libtpu: 0.0.44.dev20260713+nightly
codegen_flags: <defaults>
</compile_context>

<pallas_src>
import jax
import jax.numpy as jnp
from jax import lax
from jax.experimental import pallas as pl
from jax.experimental.pallas import tpu as pltpu
from jax.experimental.pallas import tpu_sc as plsc

BATCH = 16384
Z_DIM = 4096
N_BIT = 1024
ROW_BLOCK = 512
LANES = 16
NUM_WORKERS = 16
SEG = Z_DIM // NUM_WORKERS


def _sc_keep_kernel(mask_hbm, keep_hbm, mask_v, seg_v):
    wid = lax.axis_index("s")
    lo = wid * SEG
    pltpu.sync_copy(mask_hbm, mask_v)
    for i in range(SEG // LANES):
        seg_v[pl.ds(i * LANES, LANES)] = jnp.ones((LANES,), jnp.float32)
    for k in range(N_BIT // LANES):
        idx = mask_v[pl.ds(k * LANES, LANES)]
        local = idx - lo
        inb = (local >= 0) & (local < SEG)
        local = jnp.clip(local, 0, SEG - 1)
        plsc.store_scatter(seg_v, [local], jnp.zeros((LANES,), jnp.float32),
                           mask=inb)
    pltpu.sync_copy(seg_v, keep_hbm.at[pl.ds(lo, SEG)])


def _mul_kernel(keep_ref, z_ref, out_ref):
    out_ref[...] = z_ref[...] * keep_ref[...]


@jax.jit
def kernel(z, mask):
    keep = pl.kernel(
        _sc_keep_kernel,
        out_type=jax.ShapeDtypeStruct((Z_DIM,), jnp.float32),
        mesh=plsc.VectorSubcoreMesh(core_axis_name="c", subcore_axis_name="s",
                                    num_cores=1),
        scratch_types=[
            pltpu.VMEM((N_BIT,), jnp.int32),
            pltpu.VMEM((SEG,), jnp.float32),
        ],
        compiler_params=pltpu.CompilerParams(needs_layout_passes=False),
    )(mask)
    grid = (BATCH // ROW_BLOCK,)
    return pl.pallas_call(
        _mul_kernel,
        grid=grid,
        in_specs=[
            pl.BlockSpec((1, Z_DIM), lambda i: (0, 0)),
            pl.BlockSpec((ROW_BLOCK, Z_DIM), lambda i: (i, 0)),
        ],
        out_specs=pl.BlockSpec((ROW_BLOCK, Z_DIM), lambda i: (i, 0)),
        out_shape=jax.ShapeDtypeStruct((BATCH, Z_DIM), jnp.float32),
        compiler_params=pltpu.CompilerParams(
            dimension_semantics=("parallel",),
        ),
    )(keep.reshape(1, Z_DIM), z)

# --- scband reference (transcript-rebuilt; emitter-appended) ---
"""Pipeline reference for scband-random-bit-mask-27831388078855 (READ-ONLY COPY).

The authoritative reference and input builder live on the scoring server;
editing this copy changes nothing except your own understanding.
"""

import jax, jax.numpy as jnp
import numpy as np

BATCH = 16384
Z_DIM = 4096
N_BIT = 1024
CONST = 0.0

def setup_inputs(seed: int = 0) -> dict:
    key = jax.random.key(seed)
    k1, k2 = jax.random.split(key)
    z = jax.random.normal(k1, (BATCH, Z_DIM), dtype=jnp.float32)
    # buffer: random permutation of z_dim, take first n_bit (fixed at init / reset())
    mask = jax.random.permutation(k2, Z_DIM)[:N_BIT].astype(jnp.int32)
    return {"z": z, "mask": mask}

def reference(z, mask):
    # torch: z.clone().scatter_(1, mask.repeat(B,1), c)
    # sets out[i, mask[j]] = c for every row i -> scatter-overwrite along dim 1
    return z.at[:, mask].set(CONST)

if __name__ == "__main__":
    import jax
    _d = setup_inputs()
    print(jax.jit(kernel)(*tuple(_d.values())))

</pallas_src>

<mosaic_0001>
#map = affine_map<(d0, d1) -> (0)>
module attributes {stable_mosaic.version = 14 : i64} {
  func.func @_sc_keep_kernel(%arg0: i32, %arg1: i32, %arg2: memref<1024xi32, #tpu.memory_space<hbm>>, %arg3: memref<4096xf32, #tpu.memory_space<hbm>>, %arg4: memref<1024xi32, #tpu.memory_space<vmem>>, %arg5: memref<256xf32, #tpu.memory_space<vmem>>) attributes {dimension_semantics = [#tpu.dimension_semantics<core_parallel>, #tpu.dimension_semantics<subcore_parallel>], iteration_bounds = array<i64: 1, 16>, scalar_prefetch = 0 : i64, scratch_operands = 2 : i64, tpu.core_type = #tpu.core_type<sc_vector_subcore>, window_params = [{transform_indices = #map}, {transform_indices = #map}]} {
    %mul3A = arith.constant 256 : i32
    %mul3A_0 = arith.muli %arg1, %mul3A : i32
    "tpu.region"() ({
      %run_scoped3A = tpu.sem_alloc : memref<!tpu.dma_semaphore, #tpu.memory_space<semaphore_mem>>
      tpu.enqueue_dma source(%arg2 : memref<1024xi32, #tpu.memory_space<hbm>>) target(%arg4 : memref<1024xi32, #tpu.memory_space<vmem>>) target_semaphore(%run_scoped3A : memref<!tpu.dma_semaphore, #tpu.memory_space<semaphore_mem>>)
      tpu.wait_dma2 semaphore(%run_scoped3A : memref<!tpu.dma_semaphore, #tpu.memory_space<semaphore_mem>>) src(%arg2 : memref<1024xi32, #tpu.memory_space<hbm>>) dst(%arg4 : memref<1024xi32, #tpu.memory_space<vmem>>)
      tpu.yield
    }) : () -> ()
    %broadcast_in_dim3A = arith.constant 1.000000e+00 : f32
    %broadcast_in_dim3A_1 = vector.broadcast %broadcast_in_dim3A : f32 to vector<16xf32>
    %swap3A = arith.constant 0 : index
    %swap3A_2 = tpu.vector_load %arg5[%swap3A] {strides = array<i32>} : memref<256xf32, #tpu.memory_space<vmem>>, vector<16xf32>,
    tpu.vector_store %arg5[%swap3A], %broadcast_in_dim3A_1 {strides = array<i32>} : memref<256xf32, #tpu.memory_space<vmem>>, vector<16xf32>,
    %broadcast_in_dim3A_3 = arith.constant 1.000000e+00 : f32
    %broadcast_in_dim3A_4 = vector.broadcast %broadcast_in_dim3A_3 : f32 to vector<16xf32>
    %swap3A_5 = arith.constant 16 : index
    %swap3A_6 = tpu.vector_load %arg5[%swap3A_5] {strides = array<i32>} : memref<256xf32, #tpu.memory_space<vmem>>, vector<16xf32>,
    tpu.vector_store %arg5[%swap3A_5], %broadcast_in_dim3A_4 {strides = array<i32>} : memref<256xf32, #tpu.memory_space<vmem>>, vector<16xf32>,
    %broadcast_in_dim3A_7 = arith.constant 1.000000e+00 : f32
    %broadcast_in_dim3A_8 = vector.broadcast %broadcast_in_dim3A_7 : f32 to vector<16xf32>
    %swap3A_9 = arith.constant 32 : index
    %swap3A_10 = tpu.vector_load %arg5[%swap3A_9] {strides = array<i32>} : memref<256xf32, #tpu.memory_space<vmem>>, vector<16xf32>,
    tpu.vector_store %arg5[%swap3A_9], %broadcast_in_dim3A_8 {strides = array<i32>} : memref<256xf32, #tpu.memory_space<vmem>>, vector<16xf32>,
    %broadcast_in_dim3A_11 = arith.constant 1.000000e+00 : f32
    %broadcast_in_dim3A_12 = vector.broadcast %broadcast_in_dim3A_11 : f32 to vector<16xf32>
    %swap3A_13 = arith.constant 48 : index
    %swap3A_14 = tpu.vector_load %arg5[%swap3A_13] {strides = array<i32>} : memref<256xf32, #tpu.memory_space<vmem>>, vector<16xf32>,
    tpu.vector_store %arg5[%swap3A_13], %broadcast_in_dim3A_12 {strides = array<i32>} : memref<256xf32, #tpu.memory_space<vmem>>, vector<16xf32>,
    %broadcast_in_dim3A_15 = arith.constant 1.000000e+00 : f32
    %broadcast_in_dim3A_16 = vector.broadcast %broadcast_in_dim3A_15 : f32 to vector<16xf32>
    %swap3A_17 = arith.constant 64 : index
    %swap3A_18 = tpu.vector_load %arg5[%swap3A_17] {strides = array<i32>} : memref<256xf32, #tpu.memory_space<vmem>>, vector<16xf32>,
    tpu.vector_store %arg5[%swap3A_17], %broadcast_in_dim3A_16 {strides = array<i32>} : memref<256xf32, #tpu.memory_space<vmem>>, vector<16xf32>,
    %broadcast_in_dim3A_19 = arith.constant 1.000000e+00 : f32
    %broadcast_in_dim3A_20 = vector.broadcast %broadcast_in_dim3A_19 : f32 to vector<16xf32>
    %swap3A_21 = arith.constant 80 : index
    %swap3A_22 = tpu.vector_load %arg5[%swap3A_21] {strides = array<i32>} : memref<256xf32, #tpu.memory_space<vmem>>, vector<16xf32>,
    tpu.vector_store %arg5[%swap3A_21], %broadcast_in_dim3A_20 {strides = array<i32>} : memref<256xf32, #tpu.memory_space<vmem>>, vector<16xf32>,
    %broadcast_in_dim3A_23 = arith.constant 1.000000e+00 : f32
    %broadcast_in_dim3A_24 = vector.broadcast %broadcast_in_dim3A_23 : f32 to vector<16xf32>
    %swap3A_25 = arith.constant 96 : index
    %swap3A_26 = tpu.vector_load %arg5[%swap3A_25] {strides = array<i32>} : memref<256xf32, #tpu.memory_space<vmem>>, vector<16xf32>,
    tpu.vector_store %arg5[%swap3A_25], %broadcast_in_dim3A_24 {strides = array<i32>} : memref<256xf32, #tpu.memory_space<vmem>>, vector<16xf32>,
    %broadcast_in_dim3A_27 = arith.constant 1.000000e+00 : f32
    %broadcast_in_dim3A_28 = vector.broadcast %broadcast_in_dim3A_27 : f32 to vector<16xf32>
    %swap3A_29 = arith.constant 112 : index
    %swap3A_30 = tpu.vector_load %arg5[%swap3A_29] {strides = array<i32>} : memref<256xf32, #tpu.memory_space<vmem>>, vector<16xf32>,
    tpu.vector_store %arg5[%swap3A_29], %broadcast_in_dim3A_28 {strides = array<i32>} : memref<256xf32, #tpu.memory_space<vmem>>, vector<16xf32>,
    %broadcast_in_dim3A_31 = arith.constant 1.000000e+00 : f32
    %broadcast_in_dim3A_32 = vector.broadcast %broadcast_in_dim3A_31 : f32 to vector<16xf32>
    %swap3A_33 = arith.constant 128 : index
    %swap3A_34 = tpu.vector_load %arg5[%swap3A_33] {strides = array<i32>} : memref<256xf32, #tpu.memory_space<vmem>>, vector<16xf32>,
    tpu.vector_store %arg5[%swap3A_33], %broadcast_in_dim3A_32 {strides = array<i32>} : memref<256xf32, #tpu.memory_space<vmem>>, vector<16xf32>,
    %broadcast_in_dim3A_35 = arith.constant 1.000000e+00 : f32
    %broadcast_in_dim3A_36 = vector.broadcast %broadcast_in_dim3A_35 : f32 to vector<16xf32>
    %swap3A_37 = arith.constant 144 : index
    %swap3A_38 = tpu.vector_load %arg5[%swap3A_37] {strides = array<i32>} : memref<256xf32, #tpu.memory_space<vmem>>, vector<16xf32>,
    tpu.vector_store %arg5[%swap3A_37], %broadcast_in_dim3A_36 {strides = array<i32>} : memref<256xf32, #tpu.memory_space<vmem>>, vector<16xf32>,
    %broadcast_in_dim3A_39 = arith.constant 1.000000e+00 : f32
    %broadcast_in_dim3A_40 = vector.broadcast %broadcast_in_dim3A_39 : f32 to vector<16xf32>
    %swap3A_41 = arith.constant 160 : index
    %swap3A_42 = tpu.vector_load %arg5[%swap3A_41] {strides = array<i32>} : memref<256xf32, #tpu.memory_space<vmem>>, vector<16xf32>,
    tpu.vector_store %arg5[%swap3A_41], %broadcast_in_dim3A_40 {strides = array<i32>} : memref<256xf32, #tpu.memory_space<vmem>>, vector<16xf32>,
    %broadcast_in_dim3A_43 = arith.constant 1.000000e+00 : f32
    %broadcast_in_dim3A_44 = vector.broadcast %broadcast_in_dim3A_43 : f32 to vector<16xf32>
    %swap3A_45 = arith.constant 176 : index
    %swap3A_46 = tpu.vector_load %arg5[%swap3A_45] {strides = array<i32>} : memref<256xf32, #tpu.memory_space<vmem>>, vector<16xf32>,
    tpu.vector_store %arg5[%swap3A_45], %broadcast_in_dim3A_44 {strides = array<i32>} : memref<256xf32, #tpu.memory_space<vmem>>, vector<16xf32>,
    %broadcast_in_dim3A_47 = arith.constant 1.000000e+00 : f32
    %broadcast_in_dim3A_48 = vector.broadcast %broadcast_in_dim3A_47 : f32 to vector<16xf32>
    %swap3A_49 = arith.constant 192 : index
    %swap3A_50 = tpu.vector_load %arg5[%swap3A_49] {strides = array<i32>} : memref<256xf32, #tpu.memory_space<vmem>>, vector<16xf32>,
    tpu.vector_store %arg5[%swap3A_49], %broadcast_in_dim3A_48 {strides = array<i32>} : memref<256xf32, #tpu.memory_space<vmem>>, vector<16xf32>,
    %broadcast_in_dim3A_51 = arith.constant 1.000000e+00 : f32
    %broadcast_in_dim3A_52 = vector.broadcast %broadcast_in_dim3A_51 : f32 to vector<16xf32>
    %swap3A_53 = arith.constant 208 : index
    %swap3A_54 = tpu.vector_load %arg5[%swap3A_53] {strides = array<i32>} : memref<256xf32, #tpu.memory_space<vmem>>, vector<16xf32>,
    tpu.vector_store %arg5[%swap3A_53], %broadcast_in_dim3A_52 {strides = array<i32>} : memref<256xf32, #tpu.memory_space<vmem>>, vector<16xf32>,
    %broadcast_in_dim3A_55 = arith.constant 1.000000e+00 : f32
    %broadcast_in_dim3A_56 = vector.broadcast %broadcast_in_dim3A_55 : f32 to vector<16xf32>
    %swap3A_57 = arith.constant 224 : index
    %swap3A_58 = tpu.vector_load %arg5[%swap3A_57] {strides = array<i32>} : memref<256xf32, #tpu.memory_space<vmem>>, vector<16xf32>,
    tpu.vector_store %arg5[%swap3A_57], %broadcast_in_dim3A_56 {strides = array<i32>} : memref<256xf32, #tpu.memory_space<vmem>>, vector<16xf32>,
    %broadcast_in_dim3A_59 = arith.constant 1.000000e+00 : f32
    %broadcast_in_dim3A_60 = vector.broadcast %broadcast_in_dim3A_59 : f32 to vector<16xf32>
    %swap3A_61 = arith.constant 240 : index
    %swap3A_62 = tpu.vector_load %arg5[%swap3A_61] {strides = array<i32>} : memref<256xf32, #tpu.memory_space<vmem>>, vector<16xf32>,
    tpu.vector_store %arg5[%swap3A_61], %broadcast_in_dim3A_60 {strides = array<i32>} : memref<256xf32, #tpu.memory_space<vmem>>, vector<16xf32>,
    %get3A = arith.constant 0 : index
    %get3A_63 = tpu.vector_load %arg4[%get3A] {strides = array<i32>} : memref<1024xi32, #tpu.memory_space<vmem>>, vector<16xi32>,
    %sub3A = vector.broadcast %mul3A_0 : i32 to vector<16xi32>
    %sub3A_64 = arith.subi %get3A_63, %sub3A : vector<16xi32>
    %ge3A = arith.constant 0 : i32
    %ge3A_65 = vector.broadcast %ge3A : i32 to vector<16xi32>
    %ge3A_66 = arith.cmpi sge, %sub3A_64, %ge3A_65 : vector<16xi32>
    %lt3A = arith.constant 256 : i32
    %lt3A_67 = vector.broadcast %lt3A : i32 to vector<16xi32>
    %lt3A_68 = arith.cmpi slt, %sub3A_64, %lt3A_67 : vector<16xi32>
    %and3A = arith.andi %ge3A_66, %lt3A_68 : vector<16xi1>
    %jit3A = arith.constant 0 : i32
    %jit3A_69 = arith.constant 255 : i32
    %max3A = vector.broadcast %jit3A : i32 to vector<16xi32>
    %max3A_70 = arith.maxsi %max3A, %sub3A_64 : vector<16xi32>
    %min3A = vector.broadcast %jit3A_69 : i32 to vector<16xi32>
    %min3A_71 = arith.minsi %min3A, %max3A_70 : vector<16xi32>
    %broadcast_in_dim3A_72 = arith.constant 0.000000e+00 : f32
    %broadcast_in_dim3A_73 = vector.broadcast %broadcast_in_dim3A_72 : f32 to vector<16xf32>
    tpu.vector_store_idx %arg5[%min3A_71], %broadcast_in_dim3A_73 masked %and3A : memref<256xf32, #tpu.memory_space<vmem>>[vector<16xi32>], vector<16xf32>, vector<16xi1>
    %get3A_74 = arith.constant 16 : index
    %get3A_75 = tpu.vector_load %arg4[%get3A_74] {strides = array<i32>} : memref<1024xi32, #tpu.memory_space<vmem>>, vector<16xi32>,
    %sub3A_76 = vector.broadcast %mul3A_0 : i32 to vector<16xi32>
    %sub3A_77 = arith.subi %get3A_75, %sub3A_76 : vector<16xi32>
    %ge3A_78 = arith.constant 0 : i32
    %ge3A_79 = vector.broadcast %ge3A_78 : i32 to vector<16xi32>
    %ge3A_80 = arith.cmpi sge, %sub3A_77, %ge3A_79 : vector<16xi32>
    %lt3A_81 = arith.constant 256 : i32
    %lt3A_82 = vector.broadcast %lt3A_81 : i32 to vector<16xi32>
    %lt3A_83 = arith.cmpi slt, %sub3A_77, %lt3A_82 : vector<16xi32>
    %and3A_84 = arith.andi %ge3A_80, %lt3A_83 : vector<16xi1>
    %jit3A_85 = arith.constant 0 : i32
    %jit3A_86 = arith.constant 255 : i32
    %max3A_87 = vector.broadcast %jit3A_85 : i32 to vector<16xi32>
    %max3A_88 = arith.maxsi %max3A_87, %sub3A_77 : vector<16xi32>
    %min3A_89 = vector.broadcast %jit3A_86 : i32 to vector<16xi32>
    %min3A_90 = arith.minsi %min3A_89, %max3A_88 : vector<16xi32>
    %broadcast_in_dim3A_91 = arith.constant 0.000000e+00 : f32
    %broadcast_in_dim3A_92 = vector.broadcast %broadcast_in_dim3A_91 : f32 to vector<16xf32>
    tpu.vector_store_idx %arg5[%min3A_90], %broadcast_in_dim3A_92 masked %and3A_84 : memref<256xf32, #tpu.memory_space<vmem>>[vector<16xi32>], vector<16xf32>, vector<16xi1>
    %get3A_93 = arith.constant 32 : index
    %get3A_94 = tpu.vector_load %arg4[%get3A_93] {strides = array<i32>} : memref<1024xi32, #tpu.memory_space<vmem>>, vector<16xi32>,
    %sub3A_95 = vector.broadcast %mul3A_0 : i32 to vector<16xi32>
    %sub3A_96 = arith.subi %get3A_94, %sub3A_95 : vector<16xi32>
    %ge3A_97 = arith.constant 0 : i32
    %ge3A_98 = vector.broadcast %ge3A_97 : i32 to vector<16xi32>
    %ge3A_99 = arith.cmpi sge, %sub3A_96, %ge3A_98 : vector<16xi32>
    %lt3A_100 = arith.constant 256 : i32
    %lt3A_101 = vector.broadcast %lt3A_100 : i32 to vector<16xi32>
    %lt3A_102 = arith.cmpi slt, %sub3A_96, %lt3A_101 : vector<16xi32>
    %and3A_103 = arith.andi %ge3A_99, %lt3A_102 : vector<16xi1>
    %jit3A_104 = arith.constant 0 : i32
    %jit3A_105 = arith.constant 255 : i32
    %max3A_106 = vector.broadcast %jit3A_104 : i32 to vector<16xi32>
    %max3A_107 = arith.maxsi %max3A_106, %sub3A_96 : vector<16xi32>
    %min3A_108 = vector.broadcast %jit3A_105 : i32 to vector<16xi32>
    %min3A_109 = arith.minsi %min3A_108, %max3A_107 : vector<16xi32>
    %broadcast_in_dim3A_110 = arith.constant 0.000000e+00 : f32
    %broadcast_in_dim3A_111 = vector.broadcast %broadcast_in_dim3A_110 : f32 to vector<16xf32>
    tpu.vector_store_idx %arg5[%min3A_109], %broadcast_in_dim3A_111 masked %and3A_103 : memref<256xf32, #tpu.memory_space<vmem>>[vector<16xi32>], vector<16xf32>, vector<16xi1>
    %get3A_112 = arith.constant 48 : index
    %get3A_113 = tpu.vector_load %arg4[%get3A_112] {strides = array<i32>} : memref<1024xi32, #tpu.memory_space<vmem>>, vector<16xi32>,
    %sub3A_114 = vector.broadcast %mul3A_0 : i32 to vector<16xi32>
    %sub3A_115 = arith.subi %get3A_113, %sub3A_114 : vector<16xi32>
    %ge3A_116 = arith.constant 0 : i32
    %ge3A_117 = vector.broadcast %ge3A_116 : i32 to vector<16xi32>
    %ge3A_118 = arith.cmpi sge, %sub3A_115, %ge3A_117 : vector<16xi32>
    %lt3A_119 = arith.constant 256 : i32
    %lt3A_120 = vector.broadcast %lt3A_119 : i32 to vector<16xi32>
    %lt3A_121 = arith.cmpi slt, %sub3A_115, %lt3A_120 : vector<16xi32>
    %and3A_122 = arith.andi %ge3A_118, %lt3A_121 : vector<16xi1>
    %jit3A_123 = arith.constant 0 : i32
    %jit3A_124 = arith.constant 255 : i32
    %max3A_125 = vector.broadcast %jit3A_123 : i32 to vector<16xi32>
    %max3A_126 = arith.maxsi %max3A_125, %sub3A_115 : vector<16xi32>
    %min3A_127 = vector.broadcast %jit3A_124 : i32 to vector<16xi32>
    %min3A_128 = arith.minsi %min3A_127, %max3A_126 : vector<16xi32>
    %broadcast_in_dim3A_129 = arith.constant 0.000000e+00 : f32
    %broadcast_in_dim3A_130 = vector.broadcast %broadcast_in_dim3A_129 : f32 to vector<16xf32>
    tpu.vector_store_idx %arg5[%min3A_128], %broadcast_in_dim3A_130 masked %and3A_122 : memref<256xf32, #tpu.memory_space<vmem>>[vector<16xi32>], vector<16xf32>, vector<16xi1>
    %get3A_131 = arith.constant 64 : index
    %get3A_132 = tpu.vector_load %arg4[%get3A_131] {strides = array<i32>} : memref<1024xi32, #tpu.memory_space<vmem>>, vector<16xi32>,
    %sub3A_133 = vector.broadcast %mul3A_0 : i32 to vector<16xi32>
    %sub3A_134 = arith.subi %get3A_132, %sub3A_133 : vector<16xi32>
    %ge3A_135 = arith.constant 0 : i32
    %ge3A_136 = vector.broadcast %ge3A_135 : i32 to vector<16xi32>
    %ge3A_137 = arith.cmpi sge, %sub3A_134, %ge3A_136 : vector<16xi32>
    %lt3A_138 = arith.constant 256 : i32
    %lt3A_139 = vector.broadcast %lt3A_138 : i32 to vector<16xi32>
    %lt3A_140 = arith.cmpi slt, %sub3A_134, %lt3A_139 : vector<16xi32>
    %and3A_141 = arith.andi %ge3A_137, %lt3A_140 : vector<16xi1>
    %jit3A_142 = arith.constant 0 : i32
    %jit3A_143 = arith.constant 255 : i32
    %max3A_144 = vector.broadcast %jit3A_142 : i32 to vector<16xi32>
    %max3A_145 = arith.maxsi %max3A_144, %sub3A_134 : vector<16xi32>
    %min3A_146 = vector.broadcast %jit3A_143 : i32 to vector<16xi32>
    %min3A_147 = arith.minsi %min3A_146, %max3A_145 : vector<16xi32>
    %broadcast_in_dim3A_148 = arith.constant 0.000000e+00 : f32
    %broadcast_in_dim3A_149 = vector.broadcast %broadcast_in_dim3A_148 : f32 to vector<16xf32>
    tpu.vector_store_idx %arg5[%min3A_147], %broadcast_in_dim3A_149 masked %and3A_141 : memref<256xf32, #tpu.memory_space<vmem>>[vector<16xi32>], vector<16xf32>, vector<16xi1>
    %get3A_150 = arith.constant 80 : index
    %get3A_151 = tpu.vector_load %arg4[%get3A_150] {strides = array<i32>} : memref<1024xi32, #tpu.memory_space<vmem>>, vector<16xi32>,
    %sub3A_152 = vector.broadcast %mul3A_0 : i32 to vector<16xi32>
    %sub3A_153 = arith.subi %get3A_151, %sub3A_152 : vector<16xi32>
    %ge3A_154 = arith.constant 0 : i32
    %ge3A_155 = vector.broadcast %ge3A_154 : i32 to vector<16xi32>
    %ge3A_156 = arith.cmpi sge, %sub3A_153, %ge3A_155 : vector<16xi32>
    %lt3A_157 = arith.constant 256 : i32
    %lt3A_158 = vector.broadcast %lt3A_157 : i32 to vector<16xi32>
    %lt3A_159 = arith.cmpi slt, %sub3A_153, %lt3A_158 : vector<16xi32>
    %and3A_160 = arith.andi %ge3A_156, %lt3A_159 : vector<16xi1>
    %jit3A_161 = arith.constant 0 : i32
    %jit3A_162 = arith.constant 255 : i32
    %max3A_163 = vector.broadcast %jit3A_161 : i32 to vector<16xi32>
    %max3A_164 = arith.maxsi %max3A_163, %sub3A_153 : vector<16xi32>
    %min3A_165 = vector.broadcast %jit3A_162 : i32 to vector<16xi32>
    %min3A_166 = arith.minsi %min3A_165, %max3A_164 : vector<16xi32>
    %broadcast_in_dim3A_167 = arith.constant 0.000000e+00 : f32
    %broadcast_in_dim3A_168 = vector.broadcast %broadcast_in_dim3A_167 : f32 to vector<16xf32>
    tpu.vector_store_idx %arg5[%min3A_166], %broadcast_in_dim3A_168 masked %and3A_160 : memref<256xf32, #tpu.memory_space<vmem>>[vector<16xi32>], vector<16xf32>, vector<16xi1>
    %get3A_169 = arith.constant 96 : index
    %get3A_170 = tpu.vector_load %arg4[%get3A_169] {strides = array<i32>} : memref<1024xi32, #tpu.memory_space<vmem>>, vector<16xi32>,
    %sub3A_171 = vector.broadcast %mul3A_0 : i32 to vector<16xi32>
    %sub3A_172 = arith.subi %get3A_170, %sub3A_171 : vector<16xi32>
    %ge3A_173 = arith.constant 0 : i32
    %ge3A_174 = vector.broadcast %ge3A_173 : i32 to vector<16xi32>
    %ge3A_175 = arith.cmpi sge, %sub3A_172, %ge3A_174 : vector<16xi32>
    %lt3A_176 = arith.constant 256 : i32
    %lt3A_177 = vector.broadcast %lt3A_176 : i32 to vector<16xi32>
    %lt3A_178 = arith.cmpi slt, %sub3A_172, %lt3A_177 : vector<16xi32>
    %and3A_179 = arith.andi %ge3A_175, %lt3A_178 : vector<16xi1>
    %jit3A_180 = arith.constant 0 : i32
    %jit3A_181 = arith.constant 255 : i32
    %max3A_182 = vector.broadcast %jit3A_180 : i32 to vector<16xi32>
    %max3A_183 = arith.maxsi %max3A_182, %sub3A_172 : vector<16xi32>
    %min3A_184 = vector.broadcast %jit3A_181 : i32 to vector<16xi32>
    %min3A_185 = arith.minsi %min3A_184, %max3A_183 : vector<16xi32>
    %broadcast_in_dim3A_186 = arith.constant 0.000000e+00 : f32
    %broadcast_in_dim3A_187 = vector.broadcast %broadcast_in_dim3A_186 : f32 to vector<16xf32>
    tpu.vector_store_idx %arg5[%min3A_185], %broadcast_in_dim3A_187 masked %and3A_179 : memref<256xf32, #tpu.memory_space<vmem>>[vector<16xi32>], vector<16xf32>, vector<16xi1>
    %get3A_188 = arith.constant 112 : index
    %get3A_189 = tpu.vector_load %arg4[%get3A_188] {strides = array<i32>} : memref<1024xi32, #tpu.memory_space<vmem>>, vector<16xi32>,
    %sub3A_190 = vector.broadcast %mul3A_0 : i32 to vector<16xi32>
    %sub3A_191 = arith.subi %get3A_189, %sub3A_190 : vector<16xi32>
    %ge3A_192 = arith.constant 0 : i32
    %ge3A_193 = vector.broadcast %ge3A_192 : i32 to vector<16xi32>
    %ge3A_194 = arith.cmpi sge, %sub3A_191, %ge3A_193 : vector<16xi32>
    %lt3A_195 = arith.constant 256 : i32
    %lt3A_196 = vector.broadcast %lt3A_195 : i32 to vector<16xi32>
    %lt3A_197 = arith.cmpi slt, %sub3A_191, %lt3A_196 : vector<16xi32>
    %and3A_198 = arith.andi %ge3A_194, %lt3A_197 : vector<16xi1>
    %jit3A_199 = arith.constant 0 : i32
    %jit3A_200 = arith.constant 255 : i32
    %max3A_201 = vector.broadcast %jit3A_199 : i32 to vector<16xi32>
    %max3A_202 = arith.maxsi %max3A_201, %sub3A_191 : vector<16xi32>
    %min3A_203 = vector.broadcast %jit3A_200 : i32 to vector<16xi32>
    %min3A_204 = arith.minsi %min3A_203, %max3A_202 : vector<16xi32>
    %broadcast_in_dim3A_205 = arith.constant 0.000000e+00 : f32
    %broadcast_in_dim3A_206 = vector.broadcast %broadcast_in_dim3A_205 : f32 to vector<16xf32>
    tpu.vector_store_idx %arg5[%min3A_204], %broadcast_in_dim3A_206 masked %and3A_198 : memref<256xf32, #tpu.memory_space<vmem>>[vector<16xi32>], vector<16xf32>, vector<16xi1>
    %get3A_207 = arith.constant 128 : index
    %get3A_208 = tpu.vector_load %arg4[%get3A_207] {strides = array<i32>} : memref<1024xi32, #tpu.memory_space<vmem>>, vector<16xi32>,
    %sub3A_209 = vector.broadcast %mul3A_0 : i32 to vector<16xi32>
    %sub3A_210 = arith.subi %get3A_208, %sub3A_209 : vector<16xi32>
    %ge3A_211 = arith.constant 0 : i32
    %ge3A_212 = vector.broadcast %ge3A_211 : i32 to vector<16xi32>
    %ge3A_213 = arith.cmpi sge, %sub3A_210, %ge3A_212 : vector<16xi32>
    %lt3A_214 = arith.constant 256 : i32
    %lt3A_215 = vector.broadcast %lt3A_214 : i32 to vector<16xi32>
    %lt3A_216 = arith.cmpi slt, %sub3A_210, %lt3A_215 : vector<16xi32>
    %and3A_217 = arith.andi %ge3A_213, %lt3A_216 : vector<16xi1>
    %jit3A_218 = arith.constant 0 : i32
    %jit3A_219 = arith.constant 255 : i32
    %max3A_220 = vector.broadcast %jit3A_218 : i32 to vector<16xi32>
    %max3A_221 = arith.maxsi %max3A_220, %sub3A_210 : vector<16xi32>
    %min3A_222 = vector.broadcast %jit3A_219 : i32 to vector<16xi32>
    %min3A_223 = arith.minsi %min3A_222, %max3A_221 : vector<16xi32>
    %broadcast_in_dim3A_224 = arith.constant 0.000000e+00 : f32
    %broadcast_in_dim3A_225 = vector.broadcast %broadcast_in_dim3A_224 : f32 to vector<16xf32>
    tpu.vector_store_idx %arg5[%min3A_223], %broadcast_in_dim3A_225 masked %and3A_217 : memref<256xf32, #tpu.memory_space<vmem>>[vector<16xi32>], vector<16xf32>, vector<16xi1>
    %get3A_226 = arith.constant 144 : index
    %get3A_227 = tpu.vector_load %arg4[%get3A_226] {strides = array<i32>} : memref<1024xi32, #tpu.memory_space<vmem>>, vector<16xi32>,
    %sub3A_228 = vector.broadcast %mul3A_0 : i32 to vector<16xi32>
    %sub3A_229 = arith.subi %get3A_227, %sub3A_228 : vector<16xi32>
    %ge3A_230 = arith.constant 0 : i32
    %ge3A_231 = vector.broadcast %ge3A_230 : i32 to vector<16xi32>
    %ge3A_232 = arith.cmpi sge, %sub3A_229, %ge3A_231 : vector<16xi32>
    %lt3A_233 = arith.constant 256 : i32
    %lt3A_234 = vector.broadcast %lt3A_233 : i32 to vector<16xi32>
    %lt3A_235 = arith.cmpi slt, %sub3A_229, %lt3A_234 : vector<16xi32>
    %and3A_236 = arith.andi %ge3A_232, %lt3A_235 : vector<16xi1>
    %jit3A_237 = arith.constant 0 : i32
    %jit3A_238 = arith.constant 255 : i32
    %max3A_239 = vector.broadcast %jit3A_237 : i32 to vector<16xi32>
    %max3A_240 = arith.maxsi %max3A_239, %sub3A_229 : vector<16xi32>
    %min3A_241 = vector.broadcast %jit3A_238 : i32 to vector<16xi32>
    %min3A_242 = arith.minsi %min3A_241, %max3A_240 : vector<16xi32>
    %broadcast_in_dim3A_243 = arith.constant 0.000000e+00 : f32
    %broadcast_in_dim3A_244 = vector.broadcast %broadcast_in_dim3A_243 : f32 to vector<16xf32>
    tpu.vector_store_idx %arg5[%min3A_242], %broadcast_in_dim3A_244 masked %and3A_236 : memref<256xf32, #tpu.memory_space<vmem>>[vector<16xi32>], vector<16xf32>, vector<16xi1>
    %get3A_245 = arith.constant 160 : index
    %get3A_246 = tpu.vector_load %arg4[%get3A_245] {strides = array<i32>} : memref<1024xi32, #tpu.memory_space<vmem>>, vector<16xi32>,
    %sub3A_247 = vector.broadcast %mul3A_0 : i32 to vector<16xi32>
    %sub3A_248 = arith.subi %get3A_246, %sub3A_247 : vector<16xi32>
    %ge3A_249 = arith.constant 0 : i32
    %ge3A_250 = vector.broadcast %ge3A_249 : i32 to vector<16xi32>
    %ge3A_251 = arith.cmpi sge, %sub3A_248, %ge3A_250 : vector<16xi32>
    %lt3A_252 = arith.constant 256 : i32
    %lt3A_253 = vector.broadcast %lt3A_252 : i32 to vector<16xi32>
    %lt3A_254 = arith.cmpi slt, %sub3A_248, %lt3A_253 : vector<16xi32>
    %and3A_255 = arith.andi %ge3A_251, %lt3A_254 : vector<16xi1>
    %jit3A_256 = arith.constant 0 : i32
    %jit3A_257 = arith.constant 255 : i32
    %max3A_258 = vector.broadcast %jit3A_256 : i32 to vector<16xi32>
    %max3A_259 = arith.maxsi %max3A_258, %sub3A_248 : vector<16xi32>
    %min3A_260 = vector.broadcast %jit3A_257 : i32 to vector<16xi32>
    %min3A_261 = arith.minsi %min3A_260, %max3A_259 : vector<16xi32>
    %broadcast_in_dim3A_262 = arith.constant 0.000000e+00 : f32
    %broadcast_in_dim3A_263 = vector.broadcast %broadcast_in_dim3A_262 : f32 to vector<16xf32>
    tpu.vector_store_idx %arg5[%min3A_261], %broadcast_in_dim3A_263 masked %and3A_255 : memref<256xf32, #tpu.memory_space<vmem>>[vector<16xi32>], vector<16xf32>, vector<16xi1>
    %get3A_264 = arith.constant 176 : index
    %get3A_265 = tpu.vector_load %arg4[%get3A_264] {strides = array<i32>} : memref<1024xi32, #tpu.memory_space<vmem>>, vector<16xi32>,
    %sub3A_266 = vector.broadcast %mul3A_0 : i32 to vector<16xi32>
    %sub3A_267 = arith.subi %get3A_265, %sub3A_266 : vector<16xi32>
    %ge3A_268 = arith.constant 0 : i32
    %ge3A_269 = vector.broadcast %ge3A_268 : i32 to vector<16xi32>
    %ge3A_270 = arith.cmpi sge, %sub3A_267, %ge3A_269 : vector<16xi32>
    %lt3A_271 = arith.constant 256 : i32
    %lt3A_272 = vector.broadcast %lt3A_271 : i32 to vector<16xi32>
    %lt3A_273 = arith.cmpi slt, %sub3A_267, %lt3A_272 : vector<16xi32>
    %and3A_274 = arith.andi %ge3A_270, %lt3A_273 : vector<16xi1>
    %jit3A_275 = arith.constant 0 : i32
    %jit3A_276 = arith.constant 255 : i32
    %max3A_277 = vector.broadcast %jit3A_275 : i32 to vector<16xi32>
    %max3A_278 = arith.maxsi %max3A_277, %sub3A_267 : vector<16xi32>
    %min3A_279 = vector.broadcast %jit3A_276 : i32 to vector<16xi32>
    %min3A_280 = arith.minsi %min3A_279, %max3A_278 : vector<16xi32>
    %broadcast_in_dim3A_281 = arith.constant 0.000000e+00 : f32
    %broadcast_in_dim3A_282 = vector.broadcast %broadcast_in_dim3A_281 : f32 to vector<16xf32>
    tpu.vector_store_idx %arg5[%min3A_280], %broadcast_in_dim3A_282 masked %and3A_274 : memref<256xf32, #tpu.memory_space<vmem>>[vector<16xi32>], vector<16xf32>, vector<16xi1>
    %get3A_283 = arith.constant 192 : index
    %get3A_284 = tpu.vector_load %arg4[%get3A_283] {strides = array<i32>} : memref<1024xi32, #tpu.memory_space<vmem>>, vector<16xi32>,
    %sub3A_285 = vector.broadcast %mul3A_0 : i32 to vector<16xi32>
    %sub3A_286 = arith.subi %get3A_284, %sub3A_285 : vector<16xi32>
    %ge3A_287 = arith.constant 0 : i32
    %ge3A_288 = vector.broadcast %ge3A_287 : i32 to vector<16xi32>
    %ge3A_289 = arith.cmpi sge, %sub3A_286, %ge3A_288 : vector<16xi32>
    %lt3A_290 = arith.constant 256 : i32
    %lt3A_291 = vector.broadcast %lt3A_290 : i32 to vector<16xi32>
    %lt3A_292 = arith.cmpi slt, %sub3A_286, %lt3A_291 : vector<16xi32>
    %and3A_293 = arith.andi %ge3A_289, %lt3A_292 : vector<16xi1>
    %jit3A_294 = arith.constant 0 : i32
    %jit3A_295 = arith.constant 255 : i32
    %max3A_296 = vector.broadcast %jit3A_294 : i32 to vector<16xi32>
    %max3A_297 = arith.maxsi %max3A_296, %sub3A_286 : vector<16xi32>
    %min3A_298 = vector.broadcast %jit3A_295 : i32 to vector<16xi32>
    %min3A_299 = arith.minsi %min3A_298, %max3A_297 : vector<16xi32>
    %broadcast_in_dim3A_300 = arith.constant 0.000000e+00 : f32
    %broadcast_in_dim3A_301 = vector.broadcast %broadcast_in_dim3A_300 : f32 to vector<16xf32>
    tpu.vector_store_idx %arg5[%min3A_299], %broadcast_in_dim3A_301 masked %and3A_293 : memref<256xf32, #tpu.memory_space<vmem>>[vector<16xi32>], vector<16xf32>, vector<16xi1>
    %get3A_302 = arith.constant 208 : index
    %get3A_303 = tpu.vector_load %arg4[%get3A_302] {strides = array<i32>} : memref<1024xi32, #tpu.memory_space<vmem>>, vector<16xi32>,
    %sub3A_304 = vector.broadcast %mul3A_0 : i32 to vector<16xi32>
    %sub3A_305 = arith.subi %get3A_303, %sub3A_304 : vector<16xi32>
    %ge3A_306 = arith.constant 0 : i32
    %ge3A_307 = vector.broadcast %ge3A_306 : i32 to vector<16xi32>
    %ge3A_308 = arith.cmpi sge, %sub3A_305, %ge3A_307 : vector<16xi32>
    %lt3A_309 = arith.constant 256 : i32
    %lt3A_310 = vector.broadcast %lt3A_309 : i32 to vector<16xi32>
    %lt3A_311 = arith.cmpi slt, %sub3A_305, %lt3A_310 : vector<16xi32>
    %and3A_312 = arith.andi %ge3A_308, %lt3A_311 : vector<16xi1>
    %jit3A_313 = arith.constant 0 : i32
    %jit3A_314 = arith.constant 255 : i32
    %max3A_315 = vector.broadcast %jit3A_313 : i32 to vector<16xi32>
    %max3A_316 = arith.maxsi %max3A_315, %sub3A_305 : vector<16xi32>
    %min3A_317 = vector.broadcast %jit3A_314 : i32 to vector<16xi32>
    %min3A_318 = arith.minsi %min3A_317, %max3A_316 : vector<16xi32>
    %broadcast_in_dim3A_319 = arith.constant 0.000000e+00 : f32
    %broadcast_in_dim3A_320 = vector.broadcast %broadcast_in_dim3A_319 : f32 to vector<16xf32>
    tpu.vector_store_idx %arg5[%min3A_318], %broadcast_in_dim3A_320 masked %and3A_312 : memref<256xf32, #tpu.memory_space<vmem>>[vector<16xi32>], vector<16xf32>, vector<16xi1>
    %get3A_321 = arith.constant 224 : index
    %get3A_322 = tpu.vector_load %arg4[%get3A_321] {strides = array<i32>} : memref<1024xi32, #tpu.memory_space<vmem>>, vector<16xi32>,
    %sub3A_323 = vector.broadcast %mul3A_0 : i32 to vector<16xi32>
    %sub3A_324 = arith.subi %get3A_322, %sub3A_323 : vector<16xi32>
    %ge3A_325 = arith.constant 0 : i32
    %ge3A_326 = vector.broadcast %ge3A_325 : i32 to vector<16xi32>
    %ge3A_327 = arith.cmpi sge, %sub3A_324, %ge3A_326 : vector<16xi32>
    %lt3A_328 = arith.constant 256 : i32
    %lt3A_329 = vector.broadcast %lt3A_328 : i32 to vector<16xi32>
    %lt3A_330 = arith.cmpi slt, %sub3A_324, %lt3A_329 : vector<16xi32>
    %and3A_331 = arith.andi %ge3A_327, %lt3A_330 : vector<16xi1>
    %jit3A_332 = arith.constant 0 : i32
    %jit3A_333 = arith.constant 255 : i32
    %max3A_334 = vector.broadcast %jit3A_332 : i32 to vector<16xi32>
    %max3A_335 = arith.maxsi %max3A_334, %sub3A_324 : vector<16xi32>
    %min3A_336 = vector.broadcast %jit3A_333 : i32 to vector<16xi32>
    %min3A_337 = arith.minsi %min3A_336, %max3A_335 : vector<16xi32>
    %broadcast_in_dim3A_338 = arith.constant 0.000000e+00 : f32
    %broadcast_in_dim3A_339 = vector.broadcast %broadcast_in_dim3A_338 : f32 to vector<16xf32>
    tpu.vector_store_idx %arg5[%min3A_337], %broadcast_in_dim3A_339 masked %and3A_331 : memref<256xf32, #tpu.memory_space<vmem>>[vector<16xi32>], vector<16xf32>, vector<16xi1>
    %get3A_340 = arith.constant 240 : index
    %get3A_341 = tpu.vector_load %arg4[%get3A_340] {strides = array<i32>} : memref<1024xi32, #tpu.memory_space<vmem>>, vector<16xi32>,
    %sub3A_342 = vector.broadcast %mul3A_0 : i32 to vector<16xi32>
    %sub3A_343 = arith.subi %get3A_341, %sub3A_342 : vector<16xi32>
    %ge3A_344 = arith.constant 0 : i32
    %ge3A_345 = vector.broadcast %ge3A_344 : i32 to vector<16xi32>
    %ge3A_346 = arith.cmpi sge, %sub3A_343, %ge3A_345 : vector<16xi32>
    %lt3A_347 = arith.constant 256 : i32
    %lt3A_348 = vector.broadcast %lt3A_347 : i32 to vector<16xi32>
    %lt3A_349 = arith.cmpi slt, %sub3A_343, %lt3A_348 : vector<16xi32>
    %and3A_350 = arith.andi %ge3A_346, %lt3A_349 : vector<16xi1>
    %jit3A_351 = arith.constant 0 : i32
    %jit3A_352 = arith.constant 255 : i32
    %max3A_353 = vector.broadcast %jit3A_351 : i32 to vector<16xi32>
    %max3A_354 = arith.maxsi %max3A_353, %sub3A_343 : vector<16xi32>
    %min3A_355 = vector.broadcast %jit3A_352 : i32 to vector<16xi32>
    %min3A_356 = arith.minsi %min3A_355, %max3A_354 : vector<16xi32>
    %broadcast_in_dim3A_357 = arith.constant 0.000000e+00 : f32
    %broadcast_in_dim3A_358 = vector.broadcast %broadcast_in_dim3A_357 : f32 to vector<16xf32>
    tpu.vector_store_idx %arg5[%min3A_356], %broadcast_in_dim3A_358 masked %and3A_350 : memref<256xf32, #tpu.memory_space<vmem>>[vector<16xi32>], vector<16xf32>, vector<16xi1>
    %get3A_359 = arith.constant 256 : index
    %get3A_360 = tpu.vector_load %arg4[%get3A_359] {strides = array<i32>} : memref<1024xi32, #tpu.memory_space<vmem>>, vector<16xi32>,
    %sub3A_361 = vector.broadcast %mul3A_0 : i32 to vector<16xi32>
    %sub3A_362 = arith.subi %get3A_360, %sub3A_361 : vector<16xi32>
    %ge3A_363 = arith.constant 0 : i32
    %ge3A_364 = vector.broadcast %ge3A_363 : i32 to vector<16xi32>
    %ge3A_365 = arith.cmpi sge, %sub3A_362, %ge3A_364 : vector<16xi32>
    %lt3A_366 = arith.constant 256 : i32
    %lt3A_367 = vector.broadcast %lt3A_366 : i32 to vector<16xi32>
    %lt3A_368 = arith.cmpi slt, %sub3A_362, %lt3A_367 : vector<16xi32>
    %and3A_369 = arith.andi %ge3A_365, %lt3A_368 : vector<16xi1>
    %jit3A_370 = arith.constant 0 : i32
    %jit3A_371 = arith.constant 255 : i32
    %max3A_372 = vector.broadcast %jit3A_370 : i32 to vector<16xi32>
    %max3A_373 = arith.maxsi %max3A_372, %sub3A_362 : vector<16xi32>
    %min3A_374 = vector.broadcast %jit3A_371 : i32 to vector<16xi32>
    %min3A_375 = arith.minsi %min3A_374, %max3A_373 : vector<16xi32>
    %broadcast_in_dim3A_376 = arith.constant 0.000000e+00 : f32
    %broadcast_in_dim3A_377 = vector.broadcast %broadcast_in_dim3A_376 : f32 to vector<16xf32>
    tpu.vector_store_idx %arg5[%min3A_375], %broadcast_in_dim3A_377 masked %and3A_369 : memref<256xf32, #tpu.memory_space<vmem>>[vector<16xi32>], vector<16xf32>, vector<16xi1>
    %get3A_378 = arith.constant 272 : index
    %get3A_379 = tpu.vector_load %arg4[%get3A_378] {strides = array<i32>} : memref<1024xi32, #tpu.memory_space<vmem>>, vector<16xi32>,
    %sub3A_380 = vector.broadcast %mul3A_0 : i32 to vector<16xi32>
    %sub3A_381 = arith.subi %get3A_379, %sub3A_380 : vector<16xi32>
    %ge3A_382 = arith.constant 0 : i32
    %ge3A_383 = vector.broadcast %ge3A_382 : i32 to vector<16xi32>
    %ge3A_384 = arith.cmpi sge, %sub3A_381, %ge3A_383 : vector<16xi32>
    %lt3A_385 = arith.constant 256 : i32
    %lt3A_386 = vector.broadcast %lt3A_385 : i32 to vector<16xi32>
    %lt3A_387 = arith.cmpi slt, %sub3A_381, %lt3A_386 : vector<16xi32>
    %and3A_388 = arith.andi %ge3A_384, %lt3A_387 : vector<16xi1>
    %jit3A_389 = arith.constant 0 : i32
    %jit3A_390 = arith.constant 255 : i32
    %max3A_391 = vector.broadcast %jit3A_389 : i32 to vector<16xi32>
    %max3A_392 = arith.maxsi %max3A_391, %sub3A_381 : vector<16xi32>
    %min3A_393 = vector.broadcast %jit3A_390 : i32 to vector<16xi32>
    %min3A_394 = arith.minsi %min3A_393, %max3A_392 : vector<16xi32>
    %broadcast_in_dim3A_395 = arith.constant 0.000000e+00 : f32
    %broadcast_in_dim3A_396 = vector.broadcast %broadcast_in_dim3A_395 : f32 to vector<16xf32>
    tpu.vector_store_idx %arg5[%min3A_394], %broadcast_in_dim3A_396 masked %and3A_388 : memref<256xf32, #tpu.memory_space<vmem>>[vector<16xi32>], vector<16xf32>, vector<16xi1>
    %get3A_397 = arith.constant 288 : index
    %get3A_398 = tpu.vector_load %arg4[%get3A_397] {strides = array<i32>} : memref<1024xi32, #tpu.memory_space<vmem>>, vector<16xi32>,
    %sub3A_399 = vector.broadcast %mul3A_0 : i32 to vector<16xi32>
    %sub3A_400 = arith.subi %get3A_398, %sub3A_399 : vector<16xi32>
    %ge3A_401 = arith.constant 0 : i32
    %ge3A_402 = vector.broadcast %ge3A_401 : i32 to vector<16xi32>
    %ge3A_403 = arith.cmpi sge, %sub3A_400, %ge3A_402 : vector<16xi32>
    %lt3A_404 = arith.constant 256 : i32
    %lt3A_405 = vector.broadcast %lt3A_404 : i32 to vector<16xi32>
    %lt3A_406 = arith.cmpi slt, %sub3A_400, %lt3A_405 : vector<16xi32>
    %and3A_407 = arith.andi %ge3A_403, %lt3A_406 : vector<16xi1>
    %jit3A_408 = arith.constant 0 : i32
    %jit3A_409 = arith.constant 255 : i32
    %max3A_410 = vector.broadcast %jit3A_408 : i32 to vector<16xi32>
    %max3A_411 = arith.maxsi %max3A_410, %sub3A_400 : vector<16xi32>
    %min3A_412 = vector.broadcast %jit3A_409 : i32 to vector<16xi32>
    %min3A_413 = arith.minsi %min3A_412, %max3A_411 : vector<16xi32>
    %broadcast_in_dim3A_414 = arith.constant 0.000000e+00 : f32
    %broadcast_in_dim3A_415 = vector.broadcast %broadcast_in_dim3A_414 : f32 to vector<16xf32>
    tpu.vector_store_idx %arg5[%min3A_413], %broadcast_in_dim3A_415 masked %and3A_407 : memref<256xf32, #tpu.memory_space<vmem>>[vector<16xi32>], vector<16xf32>, vector<16xi1>
    %get3A_416 = arith.constant 304 : index
    %get3A_417 = tpu.vector_load %arg4[%get3A_416] {strides = array<i32>} : memref<1024xi32, #tpu.memory_space<vmem>>, vector<16xi32>,
    %sub3A_418 = vector.broadcast %mul3A_0 : i32 to vector<16xi32>
    %sub3A_419 = arith.subi %get3A_417, %sub3A_418 : vector<16xi32>
    %ge3A_420 = arith.constant 0 : i32
    %ge3A_421 = vector.broadcast %ge3A_420 : i32 to vector<16xi32>
    %ge3A_422 = arith.cmpi sge, %sub3A_419, %ge3A_421 : vector<16xi32>
    %lt3A_423 = arith.constant 256 : i32
    %lt3A_424 = vector.broadcast %lt3A_423 : i32 to vector<16xi32>
    %lt3A_425 = arith.cmpi slt, %sub3A_419, %lt3A_424 : vector<16xi32>
    %and3A_426 = arith.andi %ge3A_422, %lt3A_425 : vector<16xi1>
    %jit3A_427 = arith.constant 0 : i32
    %jit3A_428 = arith.constant 255 : i32
    %max3A_429 = vector.broadcast %jit3A_427 : i32 to vector<16xi32>
    %max3A_430 = arith.maxsi %max3A_429, %sub3A_419 : vector<16xi32>
    %min3A_431 = vector.broadcast %jit3A_428 : i32 to vector<16xi32>
    %min3A_432 = arith.minsi %min3A_431, %max3A_430 : vector<16xi32>
    %broadcast_in_dim3A_433 = arith.constant 0.000000e+00 : f32
    %broadcast_in_dim3A_434 = vector.broadcast %broadcast_in_dim3A_433 : f32 to vector<16xf32>
    tpu.vector_store_idx %arg5[%min3A_432], %broadcast_in_dim3A_434 masked %and3A_426 : memref<256xf32, #tpu.memory_space<vmem>>[vector<16xi32>], vector<16xf32>, vector<16xi1>
    %get3A_435 = arith.constant 320 : index
    %get3A_436 = tpu.vector_load %arg4[%get3A_435] {strides = array<i32>} : memref<1024xi32, #tpu.memory_space<vmem>>, vector<16xi32>,
    %sub3A_437 = vector.broadcast %mul3A_0 : i32 to vector<16xi32>
    %sub3A_438 = arith.subi %get3A_436, %sub3A_437 : vector<16xi32>
    %ge3A_439 = arith.constant 0 : i32
    %ge3A_440 = vector.broadcast %ge3A_439 : i32 to vector<16xi32>
    %ge3A_441 = arith.cmpi sge, %sub3A_438, %ge3A_440 : vector<16xi32>
    %lt3A_442 = arith.constant 256 : i32
    %lt3A_443 = vector.broadcast %lt3A_442 : i32 to vector<16xi32>
    %lt3A_444 = arith.cmpi slt, %sub3A_438, %lt3A_443 : vector<16xi32>
    %and3A_445 = arith.andi %ge3A_441, %lt3A_444 : vector<16xi1>
    %jit3A_446 = arith.constant 0 : i32
    %jit3A_447 = arith.constant 255 : i32
    %max3A_448 = vector.broadcast %jit3A_446 : i32 to vector<16xi32>
    %max3A_449 = arith.maxsi %max3A_448, %sub3A_438 : vector<16xi32>
    %min3A_450 = vector.broadcast %jit3A_447 : i32 to vector<16xi32>
    %min3A_451 = arith.minsi %min3A_450, %max3A_449 : vector<16xi32>
    %broadcast_in_dim3A_452 = arith.constant 0.000000e+00 : f32
    %broadcast_in_dim3A_453 = vector.broadcast %broadcast_in_dim3A_452 : f32 to vector<16xf32>
    tpu.vector_store_idx %arg5[%min3A_451], %broadcast_in_dim3A_453 masked %and3A_445 : memref<256xf32, #tpu.memory_space<vmem>>[vector<16xi32>], vector<16xf32>, vector<16xi1>
    %get3A_454 = arith.constant 336 : index
    %get3A_455 = tpu.vector_load %arg4[%get3A_454] {strides = array<i32>} : memref<1024xi32, #tpu.memory_space<vmem>>, vector<16xi32>,
    %sub3A_456 = vector.broadcast %mul3A_0 : i32 to vector<16xi32>
    %sub3A_457 = arith.subi %get3A_455, %sub3A_456 : vector<16xi32>
    %ge3A_458 = arith.constant 0 : i32
    %ge3A_459 = vector.broadcast %ge3A_458 : i32 to vector<16xi32>
    %ge3A_460 = arith.cmpi sge, %sub3A_457, %ge3A_459 : vector<16xi32>
    %lt3A_461 = arith.constant 256 : i32
    %lt3A_462 = vector.broadcast %lt3A_461 : i32 to vector<16xi32>
    %lt3A_463 = arith.cmpi slt, %sub3A_457, %lt3A_462 : vector<16xi32>
    %and3A_464 = arith.andi %ge3A_460, %lt3A_463 : vector<16xi1>
    %jit3A_465 = arith.constant 0 : i32
    %jit3A_466 = arith.constant 255 : i32
    %max3A_467 = vector.broadcast %jit3A_465 : i32 to vector<16xi32>
    %max3A_468 = arith.maxsi %max3A_467, %sub3A_457 : vector<16xi32>
    %min3A_469 = vector.broadcast %jit3A_466 : i32 to vector<16xi32>
    %min3A_470 = arith.minsi %min3A_469, %max3A_468 : vector<16xi32>
    %broadcast_in_dim3A_471 = arith.constant 0.000000e+00 : f32
    %broadcast_in_dim3A_472 = vector.broadcast %broadcast_in_dim3A_471 : f32 to vector<16xf32>
    tpu.vector_store_idx %arg5[%min3A_470], %broadcast_in_dim3A_472 masked %and3A_464 : memref<256xf32, #tpu.memory_space<vmem>>[vector<16xi32>], vector<16xf32>, vector<16xi1>
    %get3A_473 = arith.constant 352 : index
    %get3A_474 = tpu.vector_load %arg4[%get3A_473] {strides = array<i32>} : memref<1024xi32, #tpu.memory_space<vmem>>, vector<16xi32>,
    %sub3A_475 = vector.broadcast %mul3A_0 : i32 to vector<16xi32>
    %sub3A_476 = arith.subi %get3A_474, %sub3A_475 : vector<16xi32>
    %ge3A_477 = arith.constant 0 : i32
    %ge3A_478 = vector.broadcast %ge3A_477 : i32 to vector<16xi32>
    %ge3A_479 = arith.cmpi sge, %sub3A_476, %ge3A_478 : vector<16xi32>
    %lt3A_480 = arith.constant 256 : i32
    %lt3A_481 = vector.broadcast %lt3A_480 : i32 to vector<16xi32>
    %lt3A_482 = arith.cmpi slt, %sub3A_476, %lt3A_481 : vector<16xi32>
    %and3A_483 = arith.andi %ge3A_479, %lt3A_482 : vector<16xi1>
    %jit3A_484 = arith.constant 0 : i32
    %jit3A_485 = arith.constant 255 : i32
    %max3A_486 = vector.broadcast %jit3A_484 : i32 to vector<16xi32>
    %max3A_487 = arith.maxsi %max3A_486, %sub3A_476 : vector<16xi32>
    %min3A_488 = vector.broadcast %jit3A_485 : i32 to vector<16xi32>
    %min3A_489 = arith.minsi %min3A_488, %max3A_487 : vector<16xi32>
    %broadcast_in_dim3A_490 = arith.constant 0.000000e+00 : f32
    %broadcast_in_dim3A_491 = vector.broadcast %broadcast_in_dim3A_490 : f32 to vector<16xf32>
    tpu.vector_store_idx %arg5[%min3A_489], %broadcast_in_dim3A_491 masked %and3A_483 : memref<256xf32, #tpu.memory_space<vmem>>[vector<16xi32>], vector<16xf32>, vector<16xi1>
    %get3A_492 = arith.constant 368 : index
    %get3A_493 = tpu.vector_load %arg4[%get3A_492] {strides = array<i32>} : memref<1024xi32, #tpu.memory_space<vmem>>, vector<16xi32>,
    %sub3A_494 = vector.broadcast %mul3A_0 : i32 to vector<16xi32>
    %sub3A_495 = arith.subi %get3A_493, %sub3A_494 : vector<16xi32>
    %ge3A_496 = arith.constant 0 : i32
    %ge3A_497 = vector.broadcast %ge3A_496 : i32 to vector<16xi32>
    %ge3A_498 = arith.cmpi sge, %sub3A_495, %ge3A_497 : vector<16xi32>
    %lt3A_499 = arith.constant 256 : i32
    %lt3A_500 = vector.broadcast %lt3A_499 : i32 to vector<16xi32>
    %lt3A_501 = arith.cmpi slt, %sub3A_495, %lt3A_500 : vector<16xi32>
    %and3A_502 = arith.andi %ge3A_498, %lt3A_501 : vector<16xi1>
    %jit3A_503 = arith.constant 0 : i32
    %jit3A_504 = arith.constant 255 : i32
    %max3A_505 = vector.broadcast %jit3A_503 : i32 to vector<16xi32>
    %max3A_506 = arith.maxsi %max3A_505, %sub3A_495 : vector<16xi32>
    %min3A_507 = vector.broadcast %jit3A_504 : i32 to vector<16xi32>
    %min3A_508 = arith.minsi %min3A_507, %max3A_506 : vector<16xi32>
    %broadcast_in_dim3A_509 = arith.constant 0.000000e+00 : f32
    %broadcast_in_dim3A_510 = vector.broadcast %broadcast_in_dim3A_509 : f32 to vector<16xf32>
    tpu.vector_store_idx %arg5[%min3A_508], %broadcast_in_dim3A_510 masked %and3A_502 : memref<256xf32, #tpu.memory_space<vmem>>[vector<16xi32>], vector<16xf32>, vector<16xi1>
    %get3A_511 = arith.constant 384 : index
    %get3A_512 = tpu.vector_load %arg4[%get3A_511] {strides = array<i32>} : memref<1024xi32, #tpu.memory_space<vmem>>, vector<16xi32>,
    %sub3A_513 = vector.broadcast %mul3A_0 : i32 to vector<16xi32>
    %sub3A_514 = arith.subi %get3A_512, %sub3A_513 : vector<16xi32>
    %ge3A_515 = arith.constant 0 : i32
    %ge3A_516 = vector.broadcast %ge3A_515 : i32 to vector<16xi32>
    %ge3A_517 = arith.cmpi sge, %sub3A_514, %ge3A_516 : vector<16xi32>
    %lt3A_518 = arith.constant 256 : i32
    %lt3A_519 = vector.broadcast %lt3A_518 : i32 to vector<16xi32>
    %lt3A_520 = arith.cmpi slt, %sub3A_514, %lt3A_519 : vector<16xi32>
    %and3A_521 = arith.andi %ge3A_517, %lt3A_520 : vector<16xi1>
    %jit3A_522 = arith.constant 0 : i32
    %jit3A_523 = arith.constant 255 : i32
    %max3A_524 = vector.broadcast %jit3A_522 : i32 to vector<16xi32>
    %max3A_525 = arith.maxsi %max3A_524, %sub3A_514 : vector<16xi32>
    %min3A_526 = vector.broadcast %jit3A_523 : i32 to vector<16xi32>
    %min3A_527 = arith.minsi %min3A_526, %max3A_525 : vector<16xi32>
    %broadcast_in_dim3A_528 = arith.constant 0.000000e+00 : f32
    %broadcast_in_dim3A_529 = vector.broadcast %broadcast_in_dim3A_528 : f32 to vector<16xf32>
    tpu.vector_store_idx %arg5[%min3A_527], %broadcast_in_dim3A_529 masked %and3A_521 : memref<256xf32, #tpu.memory_space<vmem>>[vector<16xi32>], vector<16xf32>, vector<16xi1>
    %get3A_530 = arith.constant 400 : index
    %get3A_531 = tpu.vector_load %arg4[%get3A_530] {strides = array<i32>} : memref<1024xi32, #tpu.memory_space<vmem>>, vector<16xi32>,
    %sub3A_532 = vector.broadcast %mul3A_0 : i32 to vector<16xi32>
    %sub3A_533 = arith.subi %get3A_531, %sub3A_532 : vector<16xi32>
    %ge3A_534 = arith.constant 0 : i32
    %ge3A_535 = vector.broadcast %ge3A_534 : i32 to vector<16xi32>
    %ge3A_536 = arith.cmpi sge, %sub3A_533, %ge3A_535 : vector<16xi32>
    %lt3A_537 = arith.constant 256 : i32
    %lt3A_538 = vector.broadcast %lt3A_537 : i32 to vector<16xi32>
    %lt3A_539 = arith.cmpi slt, %sub3A_533, %lt3A_538 : vector<16xi32>
    %and3A_540 = arith.andi %ge3A_536, %lt3A_539 : vector<16xi1>
    %jit3A_541 = arith.constant 0 : i32
    %jit3A_542 = arith.constant 255 : i32
    %max3A_543 = vector.broadcast %jit3A_541 : i32 to vector<16xi32>
    %max3A_544 = arith.maxsi %max3A_543, %sub3A_533 : vector<16xi32>
    %min3A_545 = vector.broadcast %jit3A_542 : i32 to vector<16xi32>
    %min3A_546 = arith.minsi %min3A_545, %max3A_544 : vector<16xi32>
    %broadcast_in_dim3A_547 = arith.constant 0.000000e+00 : f32
    %broadcast_in_dim3A_548 = vector.broadcast %broadcast_in_dim3A_547 : f32 to vector<16xf32>
    tpu.vector_store_idx %arg5[%min3A_546], %broadcast_in_dim3A_548 masked %and3A_540 : memref<256xf32, #tpu.memory_space<vmem>>[vector<16xi32>], vector<16xf32>, vector<16xi1>
    %get3A_549 = arith.constant 416 : index
    %get3A_550 = tpu.vector_load %arg4[%get3A_549] {strides = array<i32>} : memref<1024xi32, #tpu.memory_space<vmem>>, vector<16xi32>,
    %sub3A_551 = vector.broadcast %mul3A_0 : i32 to vector<16xi32>
    %sub3A_552 = arith.subi %get3A_550, %sub3A_551 : vector<16xi32>
    %ge3A_553 = arith.constant 0 : i32
    %ge3A_554 = vector.broadcast %ge3A_553 : i32 to vector<16xi32>
    %ge3A_555 = arith.cmpi sge, %sub3A_552, %ge3A_554 : vector<16xi32>
    %lt3A_556 = arith.constant 256 : i32
    %lt3A_557 = vector.broadcast %lt3A_556 : i32 to vector<16xi32>
    %lt3A_558 = arith.cmpi slt, %sub3A_552, %lt3A_557 : vector<16xi32>
    %and3A_559 = arith.andi %ge3A_555, %lt3A_558 : vector<16xi1>
    %jit3A_560 = arith.constant 0 : i32
    %jit3A_561 = arith.constant 255 : i32
    %max3A_562 = vector.broadcast %jit3A_560 : i32 to vector<16xi32>
    %max3A_563 = arith.maxsi %max3A_562, %sub3A_552 : vector<16xi32>
    %min3A_564 = vector.broadcast %jit3A_561 : i32 to vector<16xi32>
    %min3A_565 = arith.minsi %min3A_564, %max3A_563 : vector<16xi32>
    %broadcast_in_dim3A_566 = arith.constant 0.000000e+00 : f32
    %broadcast_in_dim3A_567 = vector.broadcast %broadcast_in_dim3A_566 : f32 to vector<16xf32>
    tpu.vector_store_idx %arg5[%min3A_565], %broadcast_in_dim3A_567 masked %and3A_559 : memref<256xf32, #tpu.memory_space<vmem>>[vector<16xi32>], vector<16xf32>, vector<16xi1>
    %get3A_568 = arith.constant 432 : index
    %get3A_569 = tpu.vector_load %arg4[%get3A_568] {strides = array<i32>} : memref<1024xi32, #tpu.memory_space<vmem>>, vector<16xi32>,
    %sub3A_570 = vector.broadcast %mul3A_0 : i32 to vector<16xi32>
    %sub3A_571 = arith.subi %get3A_569, %sub3A_570 : vector<16xi32>
    %ge3A_572 = arith.constant 0 : i32
    %ge3A_573 = vector.broadcast %ge3A_572 : i32 to vector<16xi32>
    %ge3A_574 = arith.cmpi sge, %sub3A_571, %ge3A_573 : vector<16xi32>
    %lt3A_575 = arith.constant 256 : i32
    %lt3A_576 = vector.broadcast %lt3A_575 : i32 to vector<16xi32>
    %lt3A_577 = arith.cmpi slt, %sub3A_571, %lt3A_576 : vector<16xi32>
    %and3A_578 = arith.andi %ge3A_574, %lt3A_577 : vector<16xi1>
    %jit3A_579 = arith.constant 0 : i32
    %jit3A_580 = arith.constant 255 : i32
    %max3A_581 = vector.broadcast %jit3A_579 : i32 to vector<16xi32>
    %max3A_582 = arith.maxsi %max3A_581, %sub3A_571 : vector<16xi32>
    %min3A_583 = vector.broadcast %jit3A_580 : i32 to vector<16xi32>
    %min3A_584 = arith.minsi %min3A_583, %max3A_582 : vector<16xi32>
    %broadcast_in_dim3A_585 = arith.constant 0.000000e+00 : f32
    %broadcast_in_dim3A_586 = vector.broadcast %broadcast_in_dim3A_585 : f32 to vector<16xf32>
    tpu.vector_store_idx %arg5[%min3A_584], %broadcast_in_dim3A_586 masked %and3A_578 : memref<256xf32, #tpu.memory_space<vmem>>[vector<16xi32>], vector<16xf32>, vector<16xi1>
    %get3A_587 = arith.constant 448 : index
    %get3A_588 = tpu.vector_load %arg4[%get3A_587] {strides = array<i32>} : memref<1024xi32, #tpu.memory_space<vmem>>, vector<16xi32>,
    %sub3A_589 = vector.broadcast %mul3A_0 : i32 to vector<16xi32>
    %sub3A_590 = arith.subi %get3A_588, %sub3A_589 : vector<16xi32>
    %ge3A_591 = arith.constant 0 : i32
    %ge3A_592 = vector.broadcast %ge3A_591 : i32 to vector<16xi32>
    %ge3A_593 = arith.cmpi sge, %sub3A_590, %ge3A_592 : vector<16xi32>
    %lt3A_594 = arith.constant 256 : i32
    %lt3A_595 = vector.broadcast %lt3A_594 : i32 to vector<16xi32>
    %lt3A_596 = arith.cmpi slt, %sub3A_590, %lt3A_595 : vector<16xi32>
    %and3A_597 = arith.andi %ge3A_593, %lt3A_596 : vector<16xi1>
    %jit3A_598 = arith.constant 0 : i32
    %jit3A_599 = arith.constant 255 : i32
    %max3A_600 = vector.broadcast %jit3A_598 : i32 to vector<16xi32>
    %max3A_601 = arith.maxsi %max3A_600, %sub3A_590 : vector<16xi32>
    %min3A_602 = vector.broadcast %jit3A_599 : i32 to vector<16xi32>
    %min3A_603 = arith.minsi %min3A_602, %max3A_601 : vector<16xi32>
    %broadcast_in_dim3A_604 = arith.constant 0.000000e+00 : f32
    %broadcast_in_dim3A_605 = vector.broadcast %broadcast_in_dim3A_604 : f32 to vector<16xf32>
    tpu.vector_store_idx %arg5[%min3A_603], %broadcast_in_dim3A_605 masked %and3A_597 : memref<256xf32, #tpu.memory_space<vmem>>[vector<16xi32>], vector<16xf32>, vector<16xi1>
    %get3A_606 = arith.constant 464 : index
    %get3A_607 = tpu.vector_load %arg4[%get3A_606] {strides = array<i32>} : memref<1024xi32, #tpu.memory_space<vmem>>, vector<16xi32>,
    %sub3A_608 = vector.broadcast %mul3A_0 : i32 to vector<16xi32>
    %sub3A_609 = arith.subi %get3A_607, %sub3A_608 : vector<16xi32>
    %ge3A_610 = arith.constant 0 : i32
    %ge3A_611 = vector.broadcast %ge3A_610 : i32 to vector<16xi32>
    %ge3A_612 = arith.cmpi sge, %sub3A_609, %ge3A_611 : vector<16xi32>
    %lt3A_613 = arith.constant 256 : i32
    %lt3A_614 = vector.broadcast %lt3A_613 : i32 to vector<16xi32>
    %lt3A_615 = arith.cmpi slt, %sub3A_609, %lt3A_614 : vector<16xi32>
    %and3A_616 = arith.andi %ge3A_612, %lt3A_615 : vector<16xi1>
    %jit3A_617 = arith.constant 0 : i32
    %jit3A_618 = arith.constant 255 : i32
    %max3A_619 = vector.broadcast %jit3A_617 : i32 to vector<16xi32>
    %max3A_620 = arith.maxsi %max3A_619, %sub3A_609 : vector<16xi32>
    %min3A_621 = vector.broadcast %jit3A_618 : i32 to vector<16xi32>
    %min3A_622 = arith.minsi %min3A_621, %max3A_620 : vector<16xi32>
    %broadcast_in_dim3A_623 = arith.constant 0.000000e+00 : f32
    %broadcast_in_dim3A_624 = vector.broadcast %broadcast_in_dim3A_623 : f32 to vector<16xf32>
    tpu.vector_store_idx %arg5[%min3A_622], %broadcast_in_dim3A_624 masked %and3A_616 : memref<256xf32, #tpu.memory_space<vmem>>[vector<16xi32>], vector<16xf32>, vector<16xi1>
    %get3A_625 = arith.constant 480 : index
    %get3A_626 = tpu.vector_load %arg4[%get3A_625] {strides = array<i32>} : memref<1024xi32, #tpu.memory_space<vmem>>, vector<16xi32>,
    %sub3A_627 = vector.broadcast %mul3A_0 : i32 to vector<16xi32>
    %sub3A_628 = arith.subi %get3A_626, %sub3A_627 : vector<16xi32>
    %ge3A_629 = arith.constant 0 : i32
    %ge3A_630 = vector.broadcast %ge3A_629 : i32 to vector<16xi32>
    %ge3A_631 = arith.cmpi sge, %sub3A_628, %ge3A_630 : vector<16xi32>
    %lt3A_632 = arith.constant 256 : i32
    %lt3A_633 = vector.broadcast %lt3A_632 : i32 to vector<16xi32>
    %lt3A_634 = arith.cmpi slt, %sub3A_628, %lt3A_633 : vector<16xi32>
    %and3A_635 = arith.andi %ge3A_631, %lt3A_634 : vector<16xi1>
    %jit3A_636 = arith.constant 0 : i32
    %jit3A_637 = arith.constant 255 : i32
    %max3A_638 = vector.broadcast %jit3A_636 : i32 to vector<16xi32>
    %max3A_639 = arith.maxsi %max3A_638, %sub3A_628 : vector<16xi32>
    %min3A_640 = vector.broadcast %jit3A_637 : i32 to vector<16xi32>
    %min3A_641 = arith.minsi %min3A_640, %max3A_639 : vector<16xi32>
    %broadcast_in_dim3A_642 = arith.constant 0.000000e+00 : f32
    %broadcast_in_dim3A_643 = vector.broadcast %broadcast_in_dim3A_642 : f32 to vector<16xf32>
    tpu.vector_store_idx %arg5[%min3A_641], %broadcast_in_dim3A_643 masked %and3A_635 : memref<256xf32, #tpu.memory_space<vmem>>[vector<16xi32>], vector<16xf32>, vector<16xi1>
    %get3A_644 = arith.constant 496 : index
    %get3A_645 = tpu.vector_load %arg4[%get3A_644] {strides = array<i32>} : memref<1024xi32, #tpu.memory_space<vmem>>, vector<16xi32>,
    %sub3A_646 = vector.broadcast %mul3A_0 : i32 to vector<16xi32>
    %sub3A_647 = arith.subi %get3A_645, %sub3A_646 : vector<16xi32>
    %ge3A_648 = arith.constant 0 : i32
    %ge3A_649 = vector.broadcast %ge3A_648 : i32 to vector<16xi32>
    %ge3A_650 = arith.cmpi sge, %sub3A_647, %ge3A_649 : vector<16xi32>
    %lt3A_651 = arith.constant 256 : i32
    %lt3A_652 = vector.broadcast %lt3A_651 : i32 to vector<16xi32>
    %lt3A_653 = arith.cmpi slt, %sub3A_647, %lt3A_652 : vector<16xi32>
    %and3A_654 = arith.andi %ge3A_650, %lt3A_653 : vector<16xi1>
    %jit3A_655 = arith.constant 0 : i32
    %jit3A_656 = arith.constant 255 : i32
    %max3A_657 = vector.broadcast %jit3A_655 : i32 to vector<16xi32>
    %max3A_658 = arith.maxsi %max3A_657, %sub3A_647 : vector<16xi32>
    %min3A_659 = vector.broadcast %jit3A_656 : i32 to vector<16xi32>
    %min3A_660 = arith.minsi %min3A_659, %max3A_658 : vector<16xi32>
    %broadcast_in_dim3A_661 = arith.constant 0.000000e+00 : f32
    %broadcast_in_dim3A_662 = vector.broadcast %broadcast_in_dim3A_661 : f32 to vector<16xf32>
    tpu.vector_store_idx %arg5[%min3A_660], %broadcast_in_dim3A_662 masked %and3A_654 : memref<256xf32, #tpu.memory_space<vmem>>[vector<16xi32>], vector<16xf32>, vector<16xi1>
    %get3A_663 = arith.constant 512 : index
    %get3A_664 = tpu.vector_load %arg4[%get3A_663] {strides = array<i32>} : memref<1024xi32, #tpu.memory_space<vmem>>, vector<16xi32>,
    %sub3A_665 = vector.broadcast %mul3A_0 : i32 to vector<16xi32>
    %sub3A_666 = arith.subi %get3A_664, %sub3A_665 : vector<16xi32>
    %ge3A_667 = arith.constant 0 : i32
    %ge3A_668 = vector.broadcast %ge3A_667 : i32 to vector<16xi32>
    %ge3A_669 = arith.cmpi sge, %sub3A_666, %ge3A_668 : vector<16xi32>
    %lt3A_670 = arith.constant 256 : i32
    %lt3A_671 = vector.broadcast %lt3A_670 : i32 to vector<16xi32>
    %lt3A_672 = arith.cmpi slt, %sub3A_666, %lt3A_671 : vector<16xi32>
    %and3A_673 = arith.andi %ge3A_669, %lt3A_672 : vector<16xi1>
    %jit3A_674 = arith.constant 0 : i32
    %jit3A_675 = arith.constant 255 : i32
    %max3A_676 = vector.broadcast %jit3A_674 : i32 to vector<16xi32>
    %max3A_677 = arith.maxsi %max3A_676, %sub3A_666 : vector<16xi32>
    %min3A_678 = vector.broadcast %jit3A_675 : i32 to vector<16xi32>
    %min3A_679 = arith.minsi %min3A_678, %max3A_677 : vector<16xi32>
    %broadcast_in_dim3A_680 = arith.constant 0.000000e+00 : f32
    %broadcast_in_dim3A_681 = vector.broadcast %broadcast_in_dim3A_680 : f32 to vector<16xf32>
    tpu.vector_store_idx %arg5[%min3A_679], %broadcast_in_dim3A_681 masked %and3A_673 : memref<256xf32, #tpu.memory_space<vmem>>[vector<16xi32>], vector<16xf32>, vector<16xi1>
    %get3A_682 = arith.constant 528 : index
    %get3A_683 = tpu.vector_load %arg4[%get3A_682] {strides = array<i32>} : memref<1024xi32, #tpu.memory_space<vmem>>, vector<16xi32>,
    %sub3A_684 = vector.broadcast %mul3A_0 : i32 to vector<16xi32>
    %sub3A_685 = arith.subi %get3A_683, %sub3A_684 : vector<16xi32>
    %ge3A_686 = arith.constant 0 : i32
    %ge3A_687 = vector.broadcast %ge3A_686 : i32 to vector<16xi32>
    %ge3A_688 = arith.cmpi sge, %sub3A_685, %ge3A_687 : vector<16xi32>
    %lt3A_689 = arith.constant 256 : i32
    %lt3A_690 = vector.broadcast %lt3A_689 : i32 to vector<16xi32>
    %lt3A_691 = arith.cmpi slt, %sub3A_685, %lt3A_690 : vector<16xi32>
    %and3A_692 = arith.andi %ge3A_688, %lt3A_691 : vector<16xi1>
    %jit3A_693 = arith.constant 0 : i32
    %jit3A_694 = arith.constant 255 : i32
    %max3A_695 = vector.broadcast %jit3A_693 : i32 to vector<16xi32>
    %max3A_696 = arith.maxsi %max3A_695, %sub3A_685 : vector<16xi32>
    %min3A_697 = vector.broadcast %jit3A_694 : i32 to vector<16xi32>
    %min3A_698 = arith.minsi %min3A_697, %max3A_696 : vector<16xi32>
    %broadcast_in_dim3A_699 = arith.constant 0.000000e+00 : f32
    %broadcast_in_dim3A_700 = vector.broadcast %broadcast_in_dim3A_699 : f32 to vector<16xf32>
    tpu.vector_store_idx %arg5[%min3A_698], %broadcast_in_dim3A_700 masked %and3A_692 : memref<256xf32, #tpu.memory_space<vmem>>[vector<16xi32>], vector<16xf32>, vector<16xi1>
    %get3A_701 = arith.constant 544 : index
    %get3A_702 = tpu.vector_load %arg4[%get3A_701] {strides = array<i32>} : memref<1024xi32, #tpu.memory_space<vmem>>, vector<16xi32>,
    %sub3A_703 = vector.broadcast %mul3A_0 : i32 to vector<16xi32>
    %sub3A_704 = arith.subi %get3A_702, %sub3A_703 : vector<16xi32>
    %ge3A_705 = arith.constant 0 : i32
    %ge3A_706 = vector.broadcast %ge3A_705 : i32 to vector<16xi32>
    %ge3A_707 = arith.cmpi sge, %sub3A_704, %ge3A_706 : vector<16xi32>
    %lt3A_708 = arith.constant 256 : i32
    %lt3A_709 = vector.broadcast %lt3A_708 : i32 to vector<16xi32>
    %lt3A_710 = arith.cmpi slt, %sub3A_704, %lt3A_709 : vector<16xi32>
    %and3A_711 = arith.andi %ge3A_707, %lt3A_710 : vector<16xi1>
    %jit3A_712 = arith.constant 0 : i32
    %jit3A_713 = arith.constant 255 : i32
    %max3A_714 = vector.broadcast %jit3A_712 : i32 to vector<16xi32>
    %max3A_715 = arith.maxsi %max3A_714, %sub3A_704 : vector<16xi32>
    %min3A_716 = vector.broadcast %jit3A_713 : i32 to vector<16xi32>
    %min3A_717 = arith.minsi %min3A_716, %max3A_715 : vector<16xi32>
    %broadcast_in_dim3A_718 = arith.constant 0.000000e+00 : f32
    %broadcast_in_dim3A_719 = vector.broadcast %broadcast_in_dim3A_718 : f32 to vector<16xf32>
    tpu.vector_store_idx %arg5[%min3A_717], %broadcast_in_dim3A_719 masked %and3A_711 : memref<256xf32, #tpu.memory_space<vmem>>[vector<16xi32>], vector<16xf32>, vector<16xi1>
    %get3A_720 = arith.constant 560 : index
    %get3A_721 = tpu.vector_load %arg4[%get3A_720] {strides = array<i32>} : memref<1024xi32, #tpu.memory_space<vmem>>, vector<16xi32>,
    %sub3A_722 = vector.broadcast %mul3A_0 : i32 to vector<16xi32>
    %sub3A_723 = arith.subi %get3A_721, %sub3A_722 : vector<16xi32>
    %ge3A_724 = arith.constant 0 : i32
    %ge3A_725 = vector.broadcast %ge3A_724 : i32 to vector<16xi32>
    %ge3A_726 = arith.cmpi sge, %sub3A_723, %ge3A_725 : vector<16xi32>
    %lt3A_727 = arith.constant 256 : i32
    %lt3A_728 = vector.broadcast %lt3A_727 : i32 to vector<16xi32>
    %lt3A_729 = arith.cmpi slt, %sub3A_723, %lt3A_728 : vector<16xi32>
    %and3A_730 = arith.andi %ge3A_726, %lt3A_729 : vector<16xi1>
    %jit3A_731 = arith.constant 0 : i32
    %jit3A_732 = arith.constant 255 : i32
    %max3A_733 = vector.broadcast %jit3A_731 : i32 to vector<16xi32>
    %max3A_734 = arith.maxsi %max3A_733, %sub3A_723 : vector<16xi32>
    %min3A_735 = vector.broadcast %jit3A_732 : i32 to vector<16xi32>
    %min3A_736 = arith.minsi %min3A_735, %max3A_734 : vector<16xi32>
    %broadcast_in_dim3A_737 = arith.constant 0.000000e+00 : f32
    %broadcast_in_dim3A_738 = vector.broadcast %broadcast_in_dim3A_737 : f32 to vector<16xf32>
    tpu.vector_store_idx %arg5[%min3A_736], %broadcast_in_dim3A_738 masked %and3A_730 : memref<256xf32, #tpu.memory_space<vmem>>[vector<16xi32>], vector<16xf32>, vector<16xi1>
    %get3A_739 = arith.constant 576 : index
    %get3A_740 = tpu.vector_load %arg4[%get3A_739] {strides = array<i32>} : memref<1024xi32, #tpu.memory_space<vmem>>, vector<16xi32>,
    %sub3A_741 = vector.broadcast %mul3A_0 : i32 to vector<16xi32>
    %sub3A_742 = arith.subi %get3A_740, %sub3A_741 : vector<16xi32>
    %ge3A_743 = arith.constant 0 : i32
    %ge3A_744 = vector.broadcast %ge3A_743 : i32 to vector<16xi32>
    %ge3A_745 = arith.cmpi sge, %sub3A_742, %ge3A_744 : vector<16xi32>
    %lt3A_746 = arith.constant 256 : i32
    %lt3A_747 = vector.broadcast %lt3A_746 : i32 to vector<16xi32>
    %lt3A_748 = arith.cmpi slt, %sub3A_742, %lt3A_747 : vector<16xi32>
    %and3A_749 = arith.andi %ge3A_745, %lt3A_748 : vector<16xi1>
    %jit3A_750 = arith.constant 0 : i32
    %jit3A_751 = arith.constant 255 : i32
    %max3A_752 = vector.broadcast %jit3A_750 : i32 to vector<16xi32>
    %max3A_753 = arith.maxsi %max3A_752, %sub3A_742 : vector<16xi32>
    %min3A_754 = vector.broadcast %jit3A_751 : i32 to vector<16xi32>
    %min3A_755 = arith.minsi %min3A_754, %max3A_753 : vector<16xi32>
    %broadcast_in_dim3A_756 = arith.constant 0.000000e+00 : f32
    %broadcast_in_dim3A_757 = vector.broadcast %broadcast_in_dim3A_756 : f32 to vector<16xf32>
    tpu.vector_store_idx %arg5[%min3A_755], %broadcast_in_dim3A_757 masked %and3A_749 : memref<256xf32, #tpu.memory_space<vmem>>[vector<16xi32>], vector<16xf32>, vector<16xi1>
    %get3A_758 = arith.constant 592 : index
    %get3A_759 = tpu.vector_load %arg4[%get3A_758] {strides = array<i32>} : memref<1024xi32, #tpu.memory_space<vmem>>, vector<16xi32>,
    %sub3A_760 = vector.broadcast %mul3A_0 : i32 to vector<16xi32>
    %sub3A_761 = arith.subi %get3A_759, %sub3A_760 : vector<16xi32>
    %ge3A_762 = arith.constant 0 : i32
    %ge3A_763 = vector.broadcast %ge3A_762 : i32 to vector<16xi32>
    %ge3A_764 = arith.cmpi sge, %sub3A_761, %ge3A_763 : vector<16xi32>
    %lt3A_765 = arith.constant 256 : i32
    %lt3A_766 = vector.broadcast %lt3A_765 : i32 to vector<16xi32>
    %lt3A_767 = arith.cmpi slt, %sub3A_761, %lt3A_766 : vector<16xi32>
    %and3A_768 = arith.andi %ge3A_764, %lt3A_767 : vector<16xi1>
    %jit3A_769 = arith.constant 0 : i32
    %jit3A_770 = arith.constant 255 : i32
    %max3A_771 = vector.broadcast %jit3A_769 : i32 to vector<16xi32>
    %max3A_772 = arith.maxsi %max3A_771, %sub3A_761 : vector<16xi32>
    %min3A_773 = vector.broadcast %jit3A_770 : i32 to vector<16xi32>
    %min3A_774 = arith.minsi %min3A_773, %max3A_772 : vector<16xi32>
    %broadcast_in_dim3A_775 = arith.constant 0.000000e+00 : f32
    %broadcast_in_dim3A_776 = vector.broadcast %broadcast_in_dim3A_775 : f32 to vector<16xf32>
    tpu.vector_store_idx %arg5[%min3A_774], %broadcast_in_dim3A_776 masked %and3A_768 : memref<256xf32, #tpu.memory_space<vmem>>[vector<16xi32>], vector<16xf32>, vector<16xi1>
    %get3A_777 = arith.constant 608 : index
    %get3A_778 = tpu.vector_load %arg4[%get3A_777] {strides = array<i32>} : memref<1024xi32, #tpu.memory_space<vmem>>, vector<16xi32>,
    %sub3A_779 = vector.broadcast %mul3A_0 : i32 to vector<16xi32>
    %sub3A_780 = arith.subi %get3A_778, %sub3A_779 : vector<16xi32>
    %ge3A_781 = arith.constant 0 : i32
    %ge3A_782 = vector.broadcast %ge3A_781 : i32 to vector<16xi32>
    %ge3A_783 = arith.cmpi sge, %sub3A_780, %ge3A_782 : vector<16xi32>
    %lt3A_784 = arith.constant 256 : i32
    %lt3A_785 = vector.broadcast %lt3A_784 : i32 to vector<16xi32>
    %lt3A_786 = arith.cmpi slt, %sub3A_780, %lt3A_785 : vector<16xi32>
    %and3A_787 = arith.andi %ge3A_783, %lt3A_786 : vector<16xi1>
    %jit3A_788 = arith.constant 0 : i32
    %jit3A_789 = arith.constant 255 : i32
    %max3A_790 = vector.broadcast %jit3A_788 : i32 to vector<16xi32>
    %max3A_791 = arith.maxsi %max3A_790, %sub3A_780 : vector<16xi32>
    %min3A_792 = vector.broadcast %jit3A_789 : i32 to vector<16xi32>
    %min3A_793 = arith.minsi %min3A_792, %max3A_791 : vector<16xi32>
    %broadcast_in_dim3A_794 = arith.constant 0.000000e+00 : f32
    %broadcast_in_dim3A_795 = vector.broadcast %broadcast_in_dim3A_794 : f32 to vector<16xf32>
    tpu.vector_store_idx %arg5[%min3A_793], %broadcast_in_dim3A_795 masked %and3A_787 : memref<256xf32, #tpu.memory_space<vmem>>[vector<16xi32>], vector<16xf32>, vector<16xi1>
    %get3A_796 = arith.constant 624 : index
    %get3A_797 = tpu.vector_load %arg4[%get3A_796] {strides = array<i32>} : memref<1024xi32, #tpu.memory_space<vmem>>, vector<16xi32>,
    %sub3A_798 = vector.broadcast %mul3A_0 : i32 to vector<16xi32>
    %sub3A_799 = arith.subi %get3A_797, %sub3A_798 : vector<16xi32>
    %ge3A_800 = arith.constant 0 : i32
    %ge3A_801 = vector.broadcast %ge3A_800 : i32 to vector<16xi32>
    %ge3A_802 = arith.cmpi sge, %sub3A_799, %ge3A_801 : vector<16xi32>
    %lt3A_803 = arith.constant 256 : i32
    %lt3A_804 = vector.broadcast %lt3A_803 : i32 to vector<16xi32>
    %lt3A_805 = arith.cmpi slt, %sub3A_799, %lt3A_804 : vector<16xi32>
    %and3A_806 = arith.andi %ge3A_802, %lt3A_805 : vector<16xi1>
    %jit3A_807 = arith.constant 0 : i32
    %jit3A_808 = arith.constant 255 : i32
    %max3A_809 = vector.broadcast %jit3A_807 : i32 to vector<16xi32>
    %max3A_810 = arith.maxsi %max3A_809, %sub3A_799 : vector<16xi32>
    %min3A_811 = vector.broadcast %jit3A_808 : i32 to vector<16xi32>
    %min3A_812 = arith.minsi %min3A_811, %max3A_810 : vector<16xi32>
    %broadcast_in_dim3A_813 = arith.constant 0.000000e+00 : f32
    %broadcast_in_dim3A_814 = vector.broadcast %broadcast_in_dim3A_813 : f32 to vector<16xf32>
    tpu.vector_store_idx %arg5[%min3A_812], %broadcast_in_dim3A_814 masked %and3A_806 : memref<256xf32, #tpu.memory_space<vmem>>[vector<16xi32>], vector<16xf32>, vector<16xi1>
    %get3A_815 = arith.constant 640 : index
    %get3A_816 = tpu.vector_load %arg4[%get3A_815] {strides = array<i32>} : memref<1024xi32, #tpu.memory_space<vmem>>, vector<16xi32>,
    %sub3A_817 = vector.broadcast %mul3A_0 : i32 to vector<16xi32>
    %sub3A_818 = arith.subi %get3A_816, %sub3A_817 : vector<16xi32>
    %ge3A_819 = arith.constant 0 : i32
    %ge3A_820 = vector.broadcast %ge3A_819 : i32 to vector<16xi32>
    %ge3A_821 = arith.cmpi sge, %sub3A_818, %ge3A_820 : vector<16xi32>
    %lt3A_822 = arith.constant 256 : i32
    %lt3A_823 = vector.broadcast %lt3A_822 : i32 to vector<16xi32>
    %lt3A_824 = arith.cmpi slt, %sub3A_818, %lt3A_823 : vector<16xi32>
    %and3A_825 = arith.andi %ge3A_821, %lt3A_824 : vector<16xi1>
    %jit3A_826 = arith.constant 0 : i32
    %jit3A_827 = arith.constant 255 : i32
    %max3A_828 = vector.broadcast %jit3A_826 : i32 to vector<16xi32>
    %max3A_829 = arith.maxsi %max3A_828, %sub3A_818 : vector<16xi32>
    %min3A_830 = vector.broadcast %jit3A_827 : i32 to vector<16xi32>
    %min3A_831 = arith.minsi %min3A_830, %max3A_829 : vector<16xi32>
    %broadcast_in_dim3A_832 = arith.constant 0.000000e+00 : f32
    %broadcast_in_dim3A_833 = vector.broadcast %broadcast_in_dim3A_832 : f32 to vector<16xf32>
    tpu.vector_store_idx %arg5[%min3A_831], %broadcast_in_dim3A_833 masked %and3A_825 : memref<256xf32, #tpu.memory_space<vmem>>[vector<16xi32>], vector<16xf32>, vector<16xi1>
    %get3A_834 = arith.constant 656 : index
    %get3A_835 = tpu.vector_load %arg4[%get3A_834] {strides = array<i32>} : memref<1024xi32, #tpu.memory_space<vmem>>, vector<16xi32>,
    %sub3A_836 = vector.broadcast %mul3A_0 : i32 to vector<16xi32>
    %sub3A_837 = arith.subi %get3A_835, %sub3A_836 : vector<16xi32>
    %ge3A_838 = arith.constant 0 : i32
    %ge3A_839 = vector.broadcast %ge3A_838 : i32 to vector<16xi32>
    %ge3A_840 = arith.cmpi sge, %sub3A_837, %ge3A_839 : vector<16xi32>
    %lt3A_841 = arith.constant 256 : i32
    %lt3A_842 = vector.broadcast %lt3A_841 : i32 to vector<16xi32>
    %lt3A_843 = arith.cmpi slt, %sub3A_837, %lt3A_842 : vector<16xi32>
    %and3A_844 = arith.andi %ge3A_840, %lt3A_843 : vector<16xi1>
    %jit3A_845 = arith.constant 0 : i32
    %jit3A_846 = arith.constant 255 : i32
    %max3A_847 = vector.broadcast %jit3A_845 : i32 to vector<16xi32>
    %max3A_848 = arith.maxsi %max3A_847, %sub3A_837 : vector<16xi32>
    %min3A_849 = vector.broadcast %jit3A_846 : i32 to vector<16xi32>
    %min3A_850 = arith.minsi %min3A_849, %max3A_848 : vector<16xi32>
    %broadcast_in_dim3A_851 = arith.constant 0.000000e+00 : f32
    %broadcast_in_dim3A_852 = vector.broadcast %broadcast_in_dim3A_851 : f32 to vector<16xf32>
    tpu.vector_store_idx %arg5[%min3A_850], %broadcast_in_dim3A_852 masked %and3A_844 : memref<256xf32, #tpu.memory_space<vmem>>[vector<16xi32>], vector<16xf32>, vector<16xi1>
    %get3A_853 = arith.constant 672 : index
    %get3A_854 = tpu.vector_load %arg4[%get3A_853] {strides = array<i32>} : memref<1024xi32, #tpu.memory_space<vmem>>, vector<16xi32>,
    %sub3A_855 = vector.broadcast %mul3A_0 : i32 to vector<16xi32>
    %sub3A_856 = arith.subi %get3A_854, %sub3A_855 : vector<16xi32>
    %ge3A_857 = arith.constant 0 : i32
    %ge3A_858 = vector.broadcast %ge3A_857 : i32 to vector<16xi32>
    %ge3A_859 = arith.cmpi sge, %sub3A_856, %ge3A_858 : vector<16xi32>
    %lt3A_860 = arith.constant 256 : i32
    %lt3A_861 = vector.broadcast %lt3A_860 : i32 to vector<16xi32>
    %lt3A_862 = arith.cmpi slt, %sub3A_856, %lt3A_861 : vector<16xi32>
    %and3A_863 = arith.andi %ge3A_859, %lt3A_862 : vector<16xi1>
    %jit3A_864 = arith.constant 0 : i32
    %jit3A_865 = arith.constant 255 : i32
    %max3A_866 = vector.broadcast %jit3A_864 : i32 to vector<16xi32>
    %max3A_867 = arith.maxsi %max3A_866, %sub3A_856 : vector<16xi32>
    %min3A_868 = vector.broadcast %jit3A_865 : i32 to vector<16xi32>
    %min3A_869 = arith.minsi %min3A_868, %max3A_867 : vector<16xi32>
    %broadcast_in_dim3A_870 = arith.constant 0.000000e+00 : f32
    %broadcast_in_dim3A_871 = vector.broadcast %broadcast_in_dim3A_870 : f32 to vector<16xf32>
    tpu.vector_store_idx %arg5[%min3A_869], %broadcast_in_dim3A_871 masked %and3A_863 : memref<256xf32, #tpu.memory_space<vmem>>[vector<16xi32>], vector<16xf32>, vector<16xi1>
    %get3A_872 = arith.constant 688 : index
    %get3A_873 = tpu.vector_load %arg4[%get3A_872] {strides = array<i32>} : memref<1024xi32, #tpu.memory_space<vmem>>, vector<16xi32>,
    %sub3A_874 = vector.broadcast %mul3A_0 : i32 to vector<16xi32>
    %sub3A_875 = arith.subi %get3A_873, %sub3A_874 : vector<16xi32>
    %ge3A_876 = arith.constant 0 : i32
    %ge3A_877 = vector.broadcast %ge3A_876 : i32 to vector<16xi32>
    %ge3A_878 = arith.cmpi sge, %sub3A_875, %ge3A_877 : vector<16xi32>
    %lt3A_879 = arith.constant 256 : i32
    %lt3A_880 = vector.broadcast %lt3A_879 : i32 to vector<16xi32>
    %lt3A_881 = arith.cmpi slt, %sub3A_875, %lt3A_880 : vector<16xi32>
    %and3A_882 = arith.andi %ge3A_878, %lt3A_881 : vector<16xi1>
    %jit3A_883 = arith.constant 0 : i32
    %jit3A_884 = arith.constant 255 : i32
    %max3A_885 = vector.broadcast %jit3A_883 : i32 to vector<16xi32>
    %max3A_886 = arith.maxsi %max3A_885, %sub3A_875 : vector<16xi32>
    %min3A_887 = vector.broadcast %jit3A_884 : i32 to vector<16xi32>
    %min3A_888 = arith.minsi %min3A_887, %max3A_886 : vector<16xi32>
    %broadcast_in_dim3A_889 = arith.constant 0.000000e+00 : f32
    %broadcast_in_dim3A_890 = vector.broadcast %broadcast_in_dim3A_889 : f32 to vector<16xf32>
    tpu.vector_store_idx %arg5[%min3A_888], %broadcast_in_dim3A_890 masked %and3A_882 : memref<256xf32, #tpu.memory_space<vmem>>[vector<16xi32>], vector<16xf32>, vector<16xi1>
    %get3A_891 = arith.constant 704 : index
    %get3A_892 = tpu.vector_load %arg4[%get3A_891] {strides = array<i32>} : memref<1024xi32, #tpu.memory_space<vmem>>, vector<16xi32>,
    %sub3A_893 = vector.broadcast %mul3A_0 : i32 to vector<16xi32>
    %sub3A_894 = arith.subi %get3A_892, %sub3A_893 : vector<16xi32>
    %ge3A_895 = arith.constant 0 : i32
    %ge3A_896 = vector.broadcast %ge3A_895 : i32 to vector<16xi32>
    %ge3A_897 = arith.cmpi sge, %sub3A_894, %ge3A_896 : vector<16xi32>
    %lt3A_898 = arith.constant 256 : i32
    %lt3A_899 = vector.broadcast %lt3A_898 : i32 to vector<16xi32>
    %lt3A_900 = arith.cmpi slt, %sub3A_894, %lt3A_899 : vector<16xi32>
    %and3A_901 = arith.andi %ge3A_897, %lt3A_900 : vector<16xi1>
    %jit3A_902 = arith.constant 0 : i32
    %jit3A_903 = arith.constant 255 : i32
    %max3A_904 = vector.broadcast %jit3A_902 : i32 to vector<16xi32>
    %max3A_905 = arith.maxsi %max3A_904, %sub3A_894 : vector<16xi32>
    %min3A_906 = vector.broadcast %jit3A_903 : i32 to vector<16xi32>
    %min3A_907 = arith.minsi %min3A_906, %max3A_905 : vector<16xi32>
    %broadcast_in_dim3A_908 = arith.constant 0.000000e+00 : f32
    %broadcast_in_dim3A_909 = vector.broadcast %broadcast_in_dim3A_908 : f32 to vector<16xf32>
    tpu.vector_store_idx %arg5[%min3A_907], %broadcast_in_dim3A_909 masked %and3A_901 : memref<256xf32, #tpu.memory_space<vmem>>[vector<16xi32>], vector<16xf32>, vector<16xi1>
    %get3A_910 = arith.constant 720 : index
    %get3A_911 = tpu.vector_load %arg4[%get3A_910] {strides = array<i32>} : memref<1024xi32, #tpu.memory_space<vmem>>, vector<16xi32>,
    %sub3A_912 = vector.broadcast %mul3A_0 : i32 to vector<16xi32>
    %sub3A_913 = arith.subi %get3A_911, %sub3A_912 : vector<16xi32>
    %ge3A_914 = arith.constant 0 : i32
    %ge3A_915 = vector.broadcast %ge3A_914 : i32 to vector<16xi32>
    %ge3A_916 = arith.cmpi sge, %sub3A_913, %ge3A_915 : vector<16xi32>
    %lt3A_917 = arith.constant 256 : i32
    %lt3A_918 = vector.broadcast %lt3A_917 : i32 to vector<16xi32>
    %lt3A_919 = arith.cmpi slt, %sub3A_913, %lt3A_918 : vector<16xi32>
    %and3A_920 = arith.andi %ge3A_916, %lt3A_919 : vector<16xi1>
    %jit3A_921 = arith.constant 0 : i32
    %jit3A_922 = arith.constant 255 : i32
    %max3A_923 = vector.broadcast %jit3A_921 : i32 to vector<16xi32>
    %max3A_924 = arith.maxsi %max3A_923, %sub3A_913 : vector<16xi32>
    %min3A_925 = vector.broadcast %jit3A_922 : i32 to vector<16xi32>
    %min3A_926 = arith.minsi %min3A_925, %max3A_924 : vector<16xi32>
    %broadcast_in_dim3A_927 = arith.constant 0.000000e+00 : f32
    %broadcast_in_dim3A_928 = vector.broadcast %broadcast_in_dim3A_927 : f32 to vector<16xf32>
    tpu.vector_store_idx %arg5[%min3A_926], %broadcast_in_dim3A_928 masked %and3A_920 : memref<256xf32, #tpu.memory_space<vmem>>[vector<16xi32>], vector<16xf32>, vector<16xi1>
    %get3A_929 = arith.constant 736 : index
    %get3A_930 = tpu.vector_load %arg4[%get3A_929] {strides = array<i32>} : memref<1024xi32, #tpu.memory_space<vmem>>, vector<16xi32>,
    %sub3A_931 = vector.broadcast %mul3A_0 : i32 to vector<16xi32>
    %sub3A_932 = arith.subi %get3A_930, %sub3A_931 : vector<16xi32>
    %ge3A_933 = arith.constant 0 : i32
    %ge3A_934 = vector.broadcast %ge3A_933 : i32 to vector<16xi32>
    %ge3A_935 = arith.cmpi sge, %sub3A_932, %ge3A_934 : vector<16xi32>
    %lt3A_936 = arith.constant 256 : i32
    %lt3A_937 = vector.broadcast %lt3A_936 : i32 to vector<16xi32>
    %lt3A_938 = arith.cmpi slt, %sub3A_932, %lt3A_937 : vector<16xi32>
    %and3A_939 = arith.andi %ge3A_935, %lt3A_938 : vector<16xi1>
    %jit3A_940 = arith.constant 0 : i32
    %jit3A_941 = arith.constant 255 : i32
    %max3A_942 = vector.broadcast %jit3A_940 : i32 to vector<16xi32>
    %max3A_943 = arith.maxsi %max3A_942, %sub3A_932 : vector<16xi32>
    %min3A_944 = vector.broadcast %jit3A_941 : i32 to vector<16xi32>
    %min3A_945 = arith.minsi %min3A_944, %max3A_943 : vector<16xi32>
    %broadcast_in_dim3A_946 = arith.constant 0.000000e+00 : f32
    %broadcast_in_dim3A_947 = vector.broadcast %broadcast_in_dim3A_946 : f32 to vector<16xf32>
    tpu.vector_store_idx %arg5[%min3A_945], %broadcast_in_dim3A_947 masked %and3A_939 : memref<256xf32, #tpu.memory_space<vmem>>[vector<16xi32>], vector<16xf32>, vector<16xi1>
    %get3A_948 = arith.constant 752 : index
    %get3A_949 = tpu.vector_load %arg4[%get3A_948] {strides = array<i32>} : memref<1024xi32, #tpu.memory_space<vmem>>, vector<16xi32>,
    %sub3A_950 = vector.broadcast %mul3A_0 : i32 to vector<16xi32>
    %sub3A_951 = arith.subi %get3A_949, %sub3A_950 : vector<16xi32>
    %ge3A_952 = arith.constant 0 : i32
    %ge3A_953 = vector.broadcast %ge3A_952 : i32 to vector<16xi32>
    %ge3A_954 = arith.cmpi sge, %sub3A_951, %ge3A_953 : vector<16xi32>
    %lt3A_955 = arith.constant 256 : i32
    %lt3A_956 = vector.broadcast %lt3A_955 : i32 to vector<16xi32>
    %lt3A_957 = arith.cmpi slt, %sub3A_951, %lt3A_956 : vector<16xi32>
    %and3A_958 = arith.andi %ge3A_954, %lt3A_957 : vector<16xi1>
    %jit3A_959 = arith.constant 0 : i32
    %jit3A_960 = arith.constant 255 : i32
    %max3A_961 = vector.broadcast %jit3A_959 : i32 to vector<16xi32>
    %max3A_962 = arith.maxsi %max3A_961, %sub3A_951 : vector<16xi32>
    %min3A_963 = vector.broadcast %jit3A_960 : i32 to vector<16xi32>
    %min3A_964 = arith.minsi %min3A_963, %max3A_962 : vector<16xi32>
    %broadcast_in_dim3A_965 = arith.constant 0.000000e+00 : f32
    %broadcast_in_dim3A_966 = vector.broadcast %broadcast_in_dim3A_965 : f32 to vector<16xf32>
    tpu.vector_store_idx %arg5[%min3A_964], %broadcast_in_dim3A_966 masked %and3A_958 : memref<256xf32, #tpu.memory_space<vmem>>[vector<16xi32>], vector<16xf32>, vector<16xi1>
    %get3A_967 = arith.constant 768 : index
    %get3A_968 = tpu.vector_load %arg4[%get3A_967] {strides = array<i32>} : memref<1024xi32, #tpu.memory_space<vmem>>, vector<16xi32>,
    %sub3A_969 = vector.broadcast %mul3A_0 : i32 to vector<16xi32>
    %sub3A_970 = arith.subi %get3A_968, %sub3A_969 : vector<16xi32>
    %ge3A_971 = arith.constant 0 : i32
    %ge3A_972 = vector.broadcast %ge3A_971 : i32 to vector<16xi32>
    %ge3A_973 = arith.cmpi sge, %sub3A_970, %ge3A_972 : vector<16xi32>
    %lt3A_974 = arith.constant 256 : i32
    %lt3A_975 = vector.broadcast %lt3A_974 : i32 to vector<16xi32>
    %lt3A_976 = arith.cmpi slt, %sub3A_970, %lt3A_975 : vector<16xi32>
    %and3A_977 = arith.andi %ge3A_973, %lt3A_976 : vector<16xi1>
    %jit3A_978 = arith.constant 0 : i32
    %jit3A_979 = arith.constant 255 : i32
    %max3A_980 = vector.broadcast %jit3A_978 : i32 to vector<16xi32>
    %max3A_981 = arith.maxsi %max3A_980, %sub3A_970 : vector<16xi32>
    %min3A_982 = vector.broadcast %jit3A_979 : i32 to vector<16xi32>
    %min3A_983 = arith.minsi %min3A_982, %max3A_981 : vector<16xi32>
    %broadcast_in_dim3A_984 = arith.constant 0.000000e+00 : f32
    %broadcast_in_dim3A_985 = vector.broadcast %broadcast_in_dim3A_984 : f32 to vector<16xf32>
    tpu.vector_store_idx %arg5[%min3A_983], %broadcast_in_dim3A_985 masked %and3A_977 : memref<256xf32, #tpu.memory_space<vmem>>[vector<16xi32>], vector<16xf32>, vector<16xi1>
    %get3A_986 = arith.constant 784 : index
    %get3A_987 = tpu.vector_load %arg4[%get3A_986] {strides = array<i32>} : memref<1024xi32, #tpu.memory_space<vmem>>, vector<16xi32>,
    %sub3A_988 = vector.broadcast %mul3A_0 : i32 to vector<16xi32>
    %sub3A_989 = arith.subi %get3A_987, %sub3A_988 : vector<16xi32>
    %ge3A_990 = arith.constant 0 : i32
    %ge3A_991 = vector.broadcast %ge3A_990 : i32 to vector<16xi32>
    %ge3A_992 = arith.cmpi sge, %sub3A_989, %ge3A_991 : vector<16xi32>
    %lt3A_993 = arith.constant 256 : i32
    %lt3A_994 = vector.broadcast %lt3A_993 : i32 to vector<16xi32>
    %lt3A_995 = arith.cmpi slt, %sub3A_989, %lt3A_994 : vector<16xi32>
    %and3A_996 = arith.andi %ge3A_992, %lt3A_995 : vector<16xi1>
    %jit3A_997 = arith.constant 0 : i32
    %jit3A_998 = arith.constant 255 : i32
    %max3A_999 = vector.broadcast %jit3A_997 : i32 to vector<16xi32>
    %max3A_1000 = arith.maxsi %max3A_999, %sub3A_989 : vector<16xi32>
    %min3A_1001 = vector.broadcast %jit3A_998 : i32 to vector<16xi32>
    %min3A_1002 = arith.minsi %min3A_1001, %max3A_1000 : vector<16xi32>
    %broadcast_in_dim3A_1003 = arith.constant 0.000000e+00 : f32
    %broadcast_in_dim3A_1004 = vector.broadcast %broadcast_in_dim3A_1003 : f32 to vector<16xf32>
    tpu.vector_store_idx %arg5[%min3A_1002], %broadcast_in_dim3A_1004 masked %and3A_996 : memref<256xf32, #tpu.memory_space<vmem>>[vector<16xi32>], vector<16xf32>, vector<16xi1>
    %get3A_1005 = arith.constant 800 : index
    %get3A_1006 = tpu.vector_load %arg4[%get3A_1005] {strides = array<i32>} : memref<1024xi32, #tpu.memory_space<vmem>>, vector<16xi32>,
    %sub3A_1007 = vector.broadcast %mul3A_0 : i32 to vector<16xi32>
    %sub3A_1008 = arith.subi %get3A_1006, %sub3A_1007 : vector<16xi32>
    %ge3A_1009 = arith.constant 0 : i32
    %ge3A_1010 = vector.broadcast %ge3A_1009 : i32 to vector<16xi32>
    %ge3A_1011 = arith.cmpi sge, %sub3A_1008, %ge3A_1010 : vector<16xi32>
    %lt3A_1012 = arith.constant 256 : i32
    %lt3A_1013 = vector.broadcast %lt3A_1012 : i32 to vector<16xi32>
    %lt3A_1014 = arith.cmpi slt, %sub3A_1008, %lt3A_1013 : vector<16xi32>
    %and3A_1015 = arith.andi %ge3A_1011, %lt3A_1014 : vector<16xi1>
    %jit3A_1016 = arith.constant 0 : i32
    %jit3A_1017 = arith.constant 255 : i32
    %max3A_1018 = vector.broadcast %jit3A_1016 : i32 to vector<16xi32>
    %max3A_1019 = arith.maxsi %max3A_1018, %sub3A_1008 : vector<16xi32>
    %min3A_1020 = vector.broadcast %jit3A_1017 : i32 to vector<16xi32>
    %min3A_1021 = arith.minsi %min3A_1020, %max3A_1019 : vector<16xi32>
    %broadcast_in_dim3A_1022 = arith.constant 0.000000e+00 : f32
    %broadcast_in_dim3A_1023 = vector.broadcast %broadcast_in_dim3A_1022 : f32 to vector<16xf32>
    tpu.vector_store_idx %arg5[%min3A_1021], %broadcast_in_dim3A_1023 masked %and3A_1015 : memref<256xf32, #tpu.memory_space<vmem>>[vector<16xi32>], vector<16xf32>, vector<16xi1>
    %get3A_1024 = arith.constant 816 : index
    %get3A_1025 = tpu.vector_load %arg4[%get3A_1024] {strides = array<i32>} : memref<1024xi32, #tpu.memory_space<vmem>>, vector<16xi32>,
    %sub3A_1026 = vector.broadcast %mul3A_0 : i32 to vector<16xi32>
    %sub3A_1027 = arith.subi %get3A_1025, %sub3A_1026 : vector<16xi32>
    %ge3A_1028 = arith.constant 0 : i32
    %ge3A_1029 = vector.broadcast %ge3A_1028 : i32 to vector<16xi32>
    %ge3A_1030 = arith.cmpi sge, %sub3A_1027, %ge3A_1029 : vector<16xi32>
    %lt3A_1031 = arith.constant 256 : i32
    %lt3A_1032 = vector.broadcast %lt3A_1031 : i32 to vector<16xi32>
    %lt3A_1033 = arith.cmpi slt, %sub3A_1027, %lt3A_1032 : vector<16xi32>
    %and3A_1034 = arith.andi %ge3A_1030, %lt3A_1033 : vector<16xi1>
    %jit3A_1035 = arith.constant 0 : i32
    %jit3A_1036 = arith.constant 255 : i32
    %max3A_1037 = vector.broadcast %jit3A_1035 : i32 to vector<16xi32>
    %max3A_1038 = arith.maxsi %max3A_1037, %sub3A_1027 : vector<16xi32>
    %min3A_1039 = vector.broadcast %jit3A_1036 : i32 to vector<16xi32>
    %min3A_1040 = arith.minsi %min3A_1039, %max3A_1038 : vector<16xi32>
    %broadcast_in_dim3A_1041 = arith.constant 0.000000e+00 : f32
    %broadcast_in_dim3A_1042 = vector.broadcast %broadcast_in_dim3A_1041 : f32 to vector<16xf32>
    tpu.vector_store_idx %arg5[%min3A_1040], %broadcast_in_dim3A_1042 masked %and3A_1034 : memref<256xf32, #tpu.memory_space<vmem>>[vector<16xi32>], vector<16xf32>, vector<16xi1>
    %get3A_1043 = arith.constant 832 : index
    %get3A_1044 = tpu.vector_load %arg4[%get3A_1043] {strides = array<i32>} : memref<1024xi32, #tpu.memory_space<vmem>>, vector<16xi32>,
    %sub3A_1045 = vector.broadcast %mul3A_0 : i32 to vector<16xi32>
    %sub3A_1046 = arith.subi %get3A_1044, %sub3A_1045 : vector<16xi32>
    %ge3A_1047 = arith.constant 0 : i32
    %ge3A_1048 = vector.broadcast %ge3A_1047 : i32 to vector<16xi32>
    %ge3A_1049 = arith.cmpi sge, %sub3A_1046, %ge3A_1048 : vector<16xi32>
    %lt3A_1050 = arith.constant 256 : i32
    %lt3A_1051 = vector.broadcast %lt3A_1050 : i32 to vector<16xi32>
    %lt3A_1052 = arith.cmpi slt, %sub3A_1046, %lt3A_1051 : vector<16xi32>
    %and3A_1053 = arith.andi %ge3A_1049, %lt3A_1052 : vector<16xi1>
    %jit3A_1054 = arith.constant 0 : i32
    %jit3A_1055 = arith.constant 255 : i32
    %max3A_1056 = vector.broadcast %jit3A_1054 : i32 to vector<16xi32>
    %max3A_1057 = arith.maxsi %max3A_1056, %sub3A_1046 : vector<16xi32>
    %min3A_1058 = vector.broadcast %jit3A_1055 : i32 to vector<16xi32>
    %min3A_1059 = arith.minsi %min3A_1058, %max3A_1057 : vector<16xi32>
    %broadcast_in_dim3A_1060 = arith.constant 0.000000e+00 : f32
    %broadcast_in_dim3A_1061 = vector.broadcast %broadcast_in_dim3A_1060 : f32 to vector<16xf32>
    tpu.vector_store_idx %arg5[%min3A_1059], %broadcast_in_dim3A_1061 masked %and3A_1053 : memref<256xf32, #tpu.memory_space<vmem>>[vector<16xi32>], vector<16xf32>, vector<16xi1>
    %get3A_1062 = arith.constant 848 : index
    %get3A_1063 = tpu.vector_load %arg4[%get3A_1062] {strides = array<i32>} : memref<1024xi32, #tpu.memory_space<vmem>>, vector<16xi32>,
    %sub3A_1064 = vector.broadcast %mul3A_0 : i32 to vector<16xi32>
    %sub3A_1065 = arith.subi %get3A_1063, %sub3A_1064 : vector<16xi32>
    %ge3A_1066 = arith.constant 0 : i32
    %ge3A_1067 = vector.broadcast %ge3A_1066 : i32 to vector<16xi32>
    %ge3A_1068 = arith.cmpi sge, %sub3A_1065, %ge3A_1067 : vector<16xi32>
    %lt3A_1069 = arith.constant 256 : i32
    %lt3A_1070 = vector.broadcast %lt3A_1069 : i32 to vector<16xi32>
    %lt3A_1071 = arith.cmpi slt, %sub3A_1065, %lt3A_1070 : vector<16xi32>
    %and3A_1072 = arith.andi %ge3A_1068, %lt3A_1071 : vector<16xi1>
    %jit3A_1073 = arith.constant 0 : i32
    %jit3A_1074 = arith.constant 255 : i32
    %max3A_1075 = vector.broadcast %jit3A_1073 : i32 to vector<16xi32>
    %max3A_1076 = arith.maxsi %max3A_1075, %sub3A_1065 : vector<16xi32>
    %min3A_1077 = vector.broadcast %jit3A_1074 : i32 to vector<16xi32>
    %min3A_1078 = arith.minsi %min3A_1077, %max3A_1076 : vector<16xi32>
    %broadcast_in_dim3A_1079 = arith.constant 0.000000e+00 : f32
    %broadcast_in_dim3A_1080 = vector.broadcast %broadcast_in_dim3A_1079 : f32 to vector<16xf32>
    tpu.vector_store_idx %arg5[%min3A_1078], %broadcast_in_dim3A_1080 masked %and3A_1072 : memref<256xf32, #tpu.memory_space<vmem>>[vector<16xi32>], vector<16xf32>, vector<16xi1>
    %get3A_1081 = arith.constant 864 : index
    %get3A_1082 = tpu.vector_load %arg4[%get3A_1081] {strides = array<i32>} : memref<1024xi32, #tpu.memory_space<vmem>>, vector<16xi32>,
    %sub3A_1083 = vector.broadcast %mul3A_0 : i32 to vector<16xi32>
    %sub3A_1084 = arith.subi %get3A_1082, %sub3A_1083 : vector<16xi32>
    %ge3A_1085 = arith.constant 0 : i32
    %ge3A_1086 = vector.broadcast %ge3A_1085 : i32 to vector<16xi32>
    %ge3A_1087 = arith.cmpi sge, %sub3A_1084, %ge3A_1086 : vector<16xi32>
    %lt3A_1088 = arith.constant 256 : i32
    %lt3A_1089 = vector.broadcast %lt3A_1088 : i32 to vector<16xi32>
    %lt3A_1090 = arith.cmpi slt, %sub3A_1084, %lt3A_1089 : vector<16xi32>
    %and3A_1091 = arith.andi %ge3A_1087, %lt3A_1090 : vector<16xi1>
    %jit3A_1092 = arith.constant 0 : i32
    %jit3A_1093 = arith.constant 255 : i32
    %max3A_1094 = vector.broadcast %jit3A_1092 : i32 to vector<16xi32>
    %max3A_1095 = arith.maxsi %max3A_1094, %sub3A_1084 : vector<16xi32>
    %min3A_1096 = vector.broadcast %jit3A_1093 : i32 to vector<16xi32>
    %min3A_1097 = arith.minsi %min3A_1096, %max3A_1095 : vector<16xi32>
    %broadcast_in_dim3A_1098 = arith.constant 0.000000e+00 : f32
    %broadcast_in_dim3A_1099 = vector.broadcast %broadcast_in_dim3A_1098 : f32 to vector<16xf32>
    tpu.vector_store_idx %arg5[%min3A_1097], %broadcast_in_dim3A_1099 masked %and3A_1091 : memref<256xf32, #tpu.memory_space<vmem>>[vector<16xi32>], vector<16xf32>, vector<16xi1>
    %get3A_1100 = arith.constant 880 : index
    %get3A_1101 = tpu.vector_load %arg4[%get3A_1100] {strides = array<i32>} : memref<1024xi32, #tpu.memory_space<vmem>>, vector<16xi32>,
    %sub3A_1102 = vector.broadcast %mul3A_0 : i32 to vector<16xi32>
    %sub3A_1103 = arith.subi %get3A_1101, %sub3A_1102 : vector<16xi32>
    %ge3A_1104 = arith.constant 0 : i32
    %ge3A_1105 = vector.broadcast %ge3A_1104 : i32 to vector<16xi32>
    %ge3A_1106 = arith.cmpi sge, %sub3A_1103, %ge3A_1105 : vector<16xi32>
    %lt3A_1107 = arith.constant 256 : i32
    %lt3A_1108 = vector.broadcast %lt3A_1107 : i32 to vector<16xi32>
    %lt3A_1109 = arith.cmpi slt, %sub3A_1103, %lt3A_1108 : vector<16xi32>
    %and3A_1110 = arith.andi %ge3A_1106, %lt3A_1109 : vector<16xi1>
    %jit3A_1111 = arith.constant 0 : i32
    %jit3A_1112 = arith.constant 255 : i32
    %max3A_1113 = vector.broadcast %jit3A_1111 : i32 to vector<16xi32>
    %max3A_1114 = arith.maxsi %max3A_1113, %sub3A_1103 : vector<16xi32>
    %min3A_1115 = vector.broadcast %jit3A_1112 : i32 to vector<16xi32>
    %min3A_1116 = arith.minsi %min3A_1115, %max3A_1114 : vector<16xi32>
    %broadcast_in_dim3A_1117 = arith.constant 0.000000e+00 : f32
    %broadcast_in_dim3A_1118 = vector.broadcast %broadcast_in_dim3A_1117 : f32 to vector<16xf32>
    tpu.vector_store_idx %arg5[%min3A_1116], %broadcast_in_dim3A_1118 masked %and3A_1110 : memref<256xf32, #tpu.memory_space<vmem>>[vector<16xi32>], vector<16xf32>, vector<16xi1>
    %get3A_1119 = arith.constant 896 : index
    %get3A_1120 = tpu.vector_load %arg4[%get3A_1119] {strides = array<i32>} : memref<1024xi32, #tpu.memory_space<vmem>>, vector<16xi32>,
    %sub3A_1121 = vector.broadcast %mul3A_0 : i32 to vector<16xi32>
    %sub3A_1122 = arith.subi %get3A_1120, %sub3A_1121 : vector<16xi32>
    %ge3A_1123 = arith.constant 0 : i32
    %ge3A_1124 = vector.broadcast %ge3A_1123 : i32 to vector<16xi32>
    %ge3A_1125 = arith.cmpi sge, %sub3A_1122, %ge3A_1124 : vector<16xi32>
    %lt3A_1126 = arith.constant 256 : i32
    %lt3A_1127 = vector.broadcast %lt3A_1126 : i32 to vector<16xi32>
    %lt3A_1128 = arith.cmpi slt, %sub3A_1122, %lt3A_1127 : vector<16xi32>
    %and3A_1129 = arith.andi %ge3A_1125, %lt3A_1128 : vector<16xi1>
    %jit3A_1130 = arith.constant 0 : i32
    %jit3A_1131 = arith.constant 255 : i32
    %max3A_1132 = vector.broadcast %jit3A_1130 : i32 to vector<16xi32>
    %max3A_1133 = arith.maxsi %max3A_1132, %sub3A_1122 : vector<16xi32>
    %min3A_1134 = vector.broadcast %jit3A_1131 : i32 to vector<16xi32>
    %min3A_1135 = arith.minsi %min3A_1134, %max3A_1133 : vector<16xi32>
    %broadcast_in_dim3A_1136 = arith.constant 0.000000e+00 : f32
    %broadcast_in_dim3A_1137 = vector.broadcast %broadcast_in_dim3A_1136 : f32 to vector<16xf32>
    tpu.vector_store_idx %arg5[%min3A_1135], %broadcast_in_dim3A_1137 masked %and3A_1129 : memref<256xf32, #tpu.memory_space<vmem>>[vector<16xi32>], vector<16xf32>, vector<16xi1>
    %get3A_1138 = arith.constant 912 : index
    %get3A_1139 = tpu.vector_load %arg4[%get3A_1138] {strides = array<i32>} : memref<1024xi32, #tpu.memory_space<vmem>>, vector<16xi32>,
    %sub3A_1140 = vector.broadcast %mul3A_0 : i32 to vector<16xi32>
    %sub3A_1141 = arith.subi %get3A_1139, %sub3A_1140 : vector<16xi32>
    %ge3A_1142 = arith.constant 0 : i32
    %ge3A_1143 = vector.broadcast %ge3A_1142 : i32 to vector<16xi32>
    %ge3A_1144 = arith.cmpi sge, %sub3A_1141, %ge3A_1143 : vector<16xi32>
    %lt3A_1145 = arith.constant 256 : i32
    %lt3A_1146 = vector.broadcast %lt3A_1145 : i32 to vector<16xi32>
    %lt3A_1147 = arith.cmpi slt, %sub3A_1141, %lt3A_1146 : vector<16xi32>
    %and3A_1148 = arith.andi %ge3A_1144, %lt3A_1147 : vector<16xi1>
    %jit3A_1149 = arith.constant 0 : i32
    %jit3A_1150 = arith.constant 255 : i32
    %max3A_1151 = vector.broadcast %jit3A_1149 : i32 to vector<16xi32>
    %max3A_1152 = arith.maxsi %max3A_1151, %sub3A_1141 : vector<16xi32>
    %min3A_1153 = vector.broadcast %jit3A_1150 : i32 to vector<16xi32>
    %min3A_1154 = arith.minsi %min3A_1153, %max3A_1152 : vector<16xi32>
    %broadcast_in_dim3A_1155 = arith.constant 0.000000e+00 : f32
    %broadcast_in_dim3A_1156 = vector.broadcast %broadcast_in_dim3A_1155 : f32 to vector<16xf32>
    tpu.vector_store_idx %arg5[%min3A_1154], %broadcast_in_dim3A_1156 masked %and3A_1148 : memref<256xf32, #tpu.memory_space<vmem>>[vector<16xi32>], vector<16xf32>, vector<16xi1>
    %get3A_1157 = arith.constant 928 : index
    %get3A_1158 = tpu.vector_load %arg4[%get3A_1157] {strides = array<i32>} : memref<1024xi32, #tpu.memory_space<vmem>>, vector<16xi32>,
    %sub3A_1159 = vector.broadcast %mul3A_0 : i32 to vector<16xi32>
    %sub3A_1160 = arith.subi %get3A_1158, %sub3A_1159 : vector<16xi32>
    %ge3A_1161 = arith.constant 0 : i32
    %ge3A_1162 = vector.broadcast %ge3A_1161 : i32 to vector<16xi32>
    %ge3A_1163 = arith.cmpi sge, %sub3A_1160, %ge3A_1162 : vector<16xi32>
    %lt3A_1164 = arith.constant 256 : i32
    %lt3A_1165 = vector.broadcast %lt3A_1164 : i32 to vector<16xi32>
    %lt3A_1166 = arith.cmpi slt, %sub3A_1160, %lt3A_1165 : vector<16xi32>
    %and3A_1167 = arith.andi %ge3A_1163, %lt3A_1166 : vector<16xi1>
    %jit3A_1168 = arith.constant 0 : i32
    %jit3A_1169 = arith.constant 255 : i32
    %max3A_1170 = vector.broadcast %jit3A_1168 : i32 to vector<16xi32>
    %max3A_1171 = arith.maxsi %max3A_1170, %sub3A_1160 : vector<16xi32>
    %min3A_1172 = vector.broadcast %jit3A_1169 : i32 to vector<16xi32>
    %min3A_1173 = arith.minsi %min3A_1172, %max3A_1171 : vector<16xi32>
    %broadcast_in_dim3A_1174 = arith.constant 0.000000e+00 : f32
    %broadcast_in_dim3A_1175 = vector.broadcast %broadcast_in_dim3A_1174 : f32 to vector<16xf32>
    tpu.vector_store_idx %arg5[%min3A_1173], %broadcast_in_dim3A_1175 masked %and3A_1167 : memref<256xf32, #tpu.memory_space<vmem>>[vector<16xi32>], vector<16xf32>, vector<16xi1>
    %get3A_1176 = arith.constant 944 : index
    %get3A_1177 = tpu.vector_load %arg4[%get3A_1176] {strides = array<i32>} : memref<1024xi32, #tpu.memory_space<vmem>>, vector<16xi32>,
    %sub3A_1178 = vector.broadcast %mul3A_0 : i32 to vector<16xi32>
    %sub3A_1179 = arith.subi %get3A_1177, %sub3A_1178 : vector<16xi32>
    %ge3A_1180 = arith.constant 0 : i32
    %ge3A_1181 = vector.broadcast %ge3A_1180 : i32 to vector<16xi32>
    %ge3A_1182 = arith.cmpi sge, %sub3A_1179, %ge3A_1181 : vector<16xi32>
    %lt3A_1183 = arith.constant 256 : i32
    %lt3A_1184 = vector.broadcast %lt3A_1183 : i32 to vector<16xi32>
    %lt3A_1185 = arith.cmpi slt, %sub3A_1179, %lt3A_1184 : vector<16xi32>
    %and3A_1186 = arith.andi %ge3A_1182, %lt3A_1185 : vector<16xi1>
    %jit3A_1187 = arith.constant 0 : i32
    %jit3A_1188 = arith.constant 255 : i32
    %max3A_1189 = vector.broadcast %jit3A_1187 : i32 to vector<16xi32>
    %max3A_1190 = arith.maxsi %max3A_1189, %sub3A_1179 : vector<16xi32>
    %min3A_1191 = vector.broadcast %jit3A_1188 : i32 to vector<16xi32>
    %min3A_1192 = arith.minsi %min3A_1191, %max3A_1190 : vector<16xi32>
    %broadcast_in_dim3A_1193 = arith.constant 0.000000e+00 : f32
    %broadcast_in_dim3A_1194 = vector.broadcast %broadcast_in_dim3A_1193 : f32 to vector<16xf32>
    tpu.vector_store_idx %arg5[%min3A_1192], %broadcast_in_dim3A_1194 masked %and3A_1186 : memref<256xf32, #tpu.memory_space<vmem>>[vector<16xi32>], vector<16xf32>, vector<16xi1>
    %get3A_1195 = arith.constant 960 : index
    %get3A_1196 = tpu.vector_load %arg4[%get3A_1195] {strides = array<i32>} : memref<1024xi32, #tpu.memory_space<vmem>>, vector<16xi32>,
    %sub3A_1197 = vector.broadcast %mul3A_0 : i32 to vector<16xi32>
    %sub3A_1198 = arith.subi %get3A_1196, %sub3A_1197 : vector<16xi32>
    %ge3A_1199 = arith.constant 0 : i32
    %ge3A_1200 = vector.broadcast %ge3A_1199 : i32 to vector<16xi32>
    %ge3A_1201 = arith.cmpi sge, %sub3A_1198, %ge3A_1200 : vector<16xi32>
    %lt3A_1202 = arith.constant 256 : i32
    %lt3A_1203 = vector.broadcast %lt3A_1202 : i32 to vector<16xi32>
    %lt3A_1204 = arith.cmpi slt, %sub3A_1198, %lt3A_1203 : vector<16xi32>
    %and3A_1205 = arith.andi %ge3A_1201, %lt3A_1204 : vector<16xi1>
    %jit3A_1206 = arith.constant 0 : i32
    %jit3A_1207 = arith.constant 255 : i32
    %max3A_1208 = vector.broadcast %jit3A_1206 : i32 to vector<16xi32>
    %max3A_1209 = arith.maxsi %max3A_1208, %sub3A_1198 : vector<16xi32>
    %min3A_1210 = vector.broadcast %jit3A_1207 : i32 to vector<16xi32>
    %min3A_1211 = arith.minsi %min3A_1210, %max3A_1209 : vector<16xi32>
    %broadcast_in_dim3A_1212 = arith.constant 0.000000e+00 : f32
    %broadcast_in_dim3A_1213 = vector.broadcast %broadcast_in_dim3A_1212 : f32 to vector<16xf32>
    tpu.vector_store_idx %arg5[%min3A_1211], %broadcast_in_dim3A_1213 masked %and3A_1205 : memref<256xf32, #tpu.memory_space<vmem>>[vector<16xi32>], vector<16xf32>, vector<16xi1>
    %get3A_1214 = arith.constant 976 : index
    %get3A_1215 = tpu.vector_load %arg4[%get3A_1214] {strides = array<i32>} : memref<1024xi32, #tpu.memory_space<vmem>>, vector<16xi32>,
    %sub3A_1216 = vector.broadcast %mul3A_0 : i32 to vector<16xi32>
    %sub3A_1217 = arith.subi %get3A_1215, %sub3A_1216 : vector<16xi32>
    %ge3A_1218 = arith.constant 0 : i32
    %ge3A_1219 = vector.broadcast %ge3A_1218 : i32 to vector<16xi32>
    %ge3A_1220 = arith.cmpi sge, %sub3A_1217, %ge3A_1219 : vector<16xi32>
    %lt3A_1221 = arith.constant 256 : i32
    %lt3A_1222 = vector.broadcast %lt3A_1221 : i32 to vector<16xi32>
    %lt3A_1223 = arith.cmpi slt, %sub3A_1217, %lt3A_1222 : vector<16xi32>
    %and3A_1224 = arith.andi %ge3A_1220, %lt3A_1223 : vector<16xi1>
    %jit3A_1225 = arith.constant 0 : i32
    %jit3A_1226 = arith.constant 255 : i32
    %max3A_1227 = vector.broadcast %jit3A_1225 : i32 to vector<16xi32>
    %max3A_1228 = arith.maxsi %max3A_1227, %sub3A_1217 : vector<16xi32>
    %min3A_1229 = vector.broadcast %jit3A_1226 : i32 to vector<16xi32>
    %min3A_1230 = arith.minsi %min3A_1229, %max3A_1228 : vector<16xi32>
    %broadcast_in_dim3A_1231 = arith.constant 0.000000e+00 : f32
    %broadcast_in_dim3A_1232 = vector.broadcast %broadcast_in_dim3A_1231 : f32 to vector<16xf32>
    tpu.vector_store_idx %arg5[%min3A_1230], %broadcast_in_dim3A_1232 masked %and3A_1224 : memref<256xf32, #tpu.memory_space<vmem>>[vector<16xi32>], vector<16xf32>, vector<16xi1>
    %get3A_1233 = arith.constant 992 : index
    %get3A_1234 = tpu.vector_load %arg4[%get3A_1233] {strides = array<i32>} : memref<1024xi32, #tpu.memory_space<vmem>>, vector<16xi32>,
    %sub3A_1235 = vector.broadcast %mul3A_0 : i32 to vector<16xi32>
    %sub3A_1236 = arith.subi %get3A_1234, %sub3A_1235 : vector<16xi32>
    %ge3A_1237 = arith.constant 0 : i32
    %ge3A_1238 = vector.broadcast %ge3A_1237 : i32 to vector<16xi32>
    %ge3A_1239 = arith.cmpi sge, %sub3A_1236, %ge3A_1238 : vector<16xi32>
    %lt3A_1240 = arith.constant 256 : i32
    %lt3A_1241 = vector.broadcast %lt3A_1240 : i32 to vector<16xi32>
    %lt3A_1242 = arith.cmpi slt, %sub3A_1236, %lt3A_1241 : vector<16xi32>
    %and3A_1243 = arith.andi %ge3A_1239, %lt3A_1242 : vector<16xi1>
    %jit3A_1244 = arith.constant 0 : i32
    %jit3A_1245 = arith.constant 255 : i32
    %max3A_1246 = vector.broadcast %jit3A_1244 : i32 to vector<16xi32>
    %max3A_1247 = arith.maxsi %max3A_1246, %sub3A_1236 : vector<16xi32>
    %min3A_1248 = vector.broadcast %jit3A_1245 : i32 to vector<16xi32>
    %min3A_1249 = arith.minsi %min3A_1248, %max3A_1247 : vector<16xi32>
    %broadcast_in_dim3A_1250 = arith.constant 0.000000e+00 : f32
    %broadcast_in_dim3A_1251 = vector.broadcast %broadcast_in_dim3A_1250 : f32 to vector<16xf32>
    tpu.vector_store_idx %arg5[%min3A_1249], %broadcast_in_dim3A_1251 masked %and3A_1243 : memref<256xf32, #tpu.memory_space<vmem>>[vector<16xi32>], vector<16xf32>, vector<16xi1>
    %get3A_1252 = arith.constant 1008 : index
    %get3A_1253 = tpu.vector_load %arg4[%get3A_1252] {strides = array<i32>} : memref<1024xi32, #tpu.memory_space<vmem>>, vector<16xi32>,
    %sub3A_1254 = vector.broadcast %mul3A_0 : i32 to vector<16xi32>
    %sub3A_1255 = arith.subi %get3A_1253, %sub3A_1254 : vector<16xi32>
    %ge3A_1256 = arith.constant 0 : i32
    %ge3A_1257 = vector.broadcast %ge3A_1256 : i32 to vector<16xi32>
    %ge3A_1258 = arith.cmpi sge, %sub3A_1255, %ge3A_1257 : vector<16xi32>
    %lt3A_1259 = arith.constant 256 : i32
    %lt3A_1260 = vector.broadcast %lt3A_1259 : i32 to vector<16xi32>
    %lt3A_1261 = arith.cmpi slt, %sub3A_1255, %lt3A_1260 : vector<16xi32>
    %and3A_1262 = arith.andi %ge3A_1258, %lt3A_1261 : vector<16xi1>
    %jit3A_1263 = arith.constant 0 : i32
    %jit3A_1264 = arith.constant 255 : i32
    %max3A_1265 = vector.broadcast %jit3A_1263 : i32 to vector<16xi32>
    %max3A_1266 = arith.maxsi %max3A_1265, %sub3A_1255 : vector<16xi32>
    %min3A_1267 = vector.broadcast %jit3A_1264 : i32 to vector<16xi32>
    %min3A_1268 = arith.minsi %min3A_1267, %max3A_1266 : vector<16xi32>
    %broadcast_in_dim3A_1269 = arith.constant 0.000000e+00 : f32
    %broadcast_in_dim3A_1270 = vector.broadcast %broadcast_in_dim3A_1269 : f32 to vector<16xf32>
    tpu.vector_store_idx %arg5[%min3A_1268], %broadcast_in_dim3A_1270 masked %and3A_1262 : memref<256xf32, #tpu.memory_space<vmem>>[vector<16xi32>], vector<16xf32>, vector<16xi1>
    "tpu.region"() ({
      %run_scoped3A = tpu.sem_alloc : memref<!tpu.dma_semaphore, #tpu.memory_space<semaphore_mem>>
      %dma_start3A = tpu.memref_slice %arg3[%mul3A_0] : memref<4096xf32, #tpu.memory_space<hbm>> -> memref<256xf32, #tpu.memory_space<hbm>>
      %dma_start3A_1271 = tpu.memref_slice %arg3[%mul3A_0] : memref<4096xf32, #tpu.memory_space<hbm>> -> memref<256xf32, #tpu.memory_space<hbm>>
      tpu.enqueue_dma source(%arg5 : memref<256xf32, #tpu.memory_space<vmem>>) target(%dma_start3A_1271 : memref<256xf32, #tpu.memory_space<hbm>>) target_semaphore(%run_scoped3A : memref<!tpu.dma_semaphore, #tpu.memory_space<semaphore_mem>>)
      %dma_wait3A = tpu.memref_slice %arg3[%mul3A_0] : memref<4096xf32, #tpu.memory_space<hbm>> -> memref<256xf32, #tpu.memory_space<hbm>>
      %dma_wait3A_1272 = tpu.memref_slice %arg3[%mul3A_0] : memref<4096xf32, #tpu.memory_space<hbm>> -> memref<256xf32, #tpu.memory_space<hbm>>
      tpu.wait_dma2 semaphore(%run_scoped3A : memref<!tpu.dma_semaphore, #tpu.memory_space<semaphore_mem>>) src(%arg5 : memref<256xf32, #tpu.memory_space<vmem>>) dst(%dma_wait3A_1272 : memref<256xf32, #tpu.memory_space<hbm>>)
      tpu.yield
    }) : () -> ()
    return
  }
}

module attributes {stable_mosaic.version = 14 : i64} {
  func.func @_mul_kernel(%arg0: i32, %arg1: memref<1x4096xf32, #tpu.memory_space<vmem>>, %arg2: memref<512x4096xf32, #tpu.memory_space<vmem>>, %arg3: memref<512x4096xf32, #tpu.memory_space<vmem>>) attributes {dimension_semantics = [#tpu.dimension_semantics<parallel>], iteration_bounds = array<i64: 32>, scalar_prefetch = 0 : i64, scratch_operands = 0 : i64, tpu.core_type = #tpu.core_type<tc>, window_params = [{pipeline_mode = #tpu.pipeline_mode<synchronous>, transform_indices = @transform_0, window_bounds = array<i64: 1, 4096>}, {transform_indices = @transform_1, window_bounds = array<i64: 512, 4096>}, {transform_indices = @transform_2, window_bounds = array<i64: 512, 4096>}]} {
    %get3A = arith.constant 0 : index
    %get3A_0 = arith.constant 0 : index
    %get3A_1 = vector.load %arg2[%get3A, %get3A_0] : memref<512x4096xf32, #tpu.memory_space<vmem>>, vector<512x4096xf32>
    %get3A_2 = arith.constant 0 : index
    %get3A_3 = arith.constant 0 : index
    %get3A_4 = vector.load %arg1[%get3A_2, %get3A_3] : memref<1x4096xf32, #tpu.memory_space<vmem>>, vector<1x4096xf32>
    %mul3A = vector.broadcast %get3A_4 : vector<1x4096xf32> to vector<512x4096xf32>
    %mul3A_5 = arith.mulf %get3A_1, %mul3A : vector<512x4096xf32>
    %swap3A = arith.constant 0 : index
    %swap3A_6 = arith.constant 0 : index
    %swap3A_7 = vector.load %arg3[%swap3A, %swap3A_6] : memref<512x4096xf32, #tpu.memory_space<vmem>>, vector<512x4096xf32>
    tpu.vector_store %arg3[%swap3A, %swap3A_6], %mul3A_5 {strides = array<i32>} : memref<512x4096xf32, #tpu.memory_space<vmem>>, vector<512x4096xf32>,
    return
  }
  func.func @transform_0(%arg0: i32) -> (i32, i32) {
    %c0_i32 = arith.constant 0 : i32
    %c0_i32_0 = arith.constant 0 : i32
    %c0_i32_1 = arith.constant 0 : i32
    return %c0_i32, %c0_i32_0 : i32, i32
  }
  func.func @transform_1(%arg0: i32) -> (i32, i32) {
    %c0_i32 = arith.constant 0 : i32
    %c0_i32_0 = arith.constant 0 : i32
    return %arg0, %c0_i32 : i32, i32
  }
  func.func @transform_2(%arg0: i32) -> (i32, i32) {
    %c0_i32 = arith.constant 0 : i32
    %c0_i32_0 = arith.constant 0 : i32
    return %arg0, %c0_i32 : i32, i32
  }
}

</mosaic_0001>

<sc_bundles>
// kernel: kernel.4.cloned.1.call-start
scs
__scs_entry_jumppad:
0x0: {  	(pc) =	sbr.rel $0x88, $3  }
0x1: {  	(tag) =	ssettag $0x0;
	lr =	simm.s32 $0x1  }
0x2: {  	[smem:$0x3F9F] =	sst lr;
	_ =	strace $0xD0000000  }
0x3: {  	_ = 	snop  }
0x4: {  	_ = 	snop  }
0x5: {  	_ = 	snop  }
0x6: {  	_ = 	snop  }
0x7: {  	_ = 	snop  }
__scs_overlays_trampoline_lowered:
0x8: {  	[smem:$0x3FAE] =	sst s0  }
0x9: {  	[smem:$0x3FAF] =	sst s1  }
0xa: {  	[smem:$0x3FB0] =	sst s2  }
0xb: {  	[smem:$0x3FB1] =	sst s3  }
0xc: {  	[smem:$0x3FB2] =	sst s4  }
0xd: {  	[smem:$0x3FB3] =	sst s5  }
0xe: {  	[smem:$0x3FB4] =	sst s6  }
0xf: {  	[smem:$0x3FB5] =	sst s7  }
0x10: {  	[smem:$0x3FB6] =	sst s8  }
0x11: {  	[smem:$0x3FB7] =	sst s9;
	s0 =	simm.s32 @!p0 $0x0  }
0x12: {  	s1 =	sld [smem:$0x3F9D];
	s0 =	simm.s32 @p0 $0x1  }
0x13: {  	[smem:$0x3FB8] =	sst s0;
	s0 =	simm.s32 @!p1 $0x0  }
0x14: {  	s2 =	sld [smem:$0x3F9C];
	s0 =	simm.s32 @p1 $0x1  }
0x15: {  	[smem:$0x3FB9] =	sst s0;
	s0 =	simm.s32 @!p2 $0x0  }
0x16: {  	s3 =	sld [smem:$0x3FDB];
	s0 =	simm.s32 @p2 $0x1  }
0x17: {  	s4 =	simm.s32 $0x1BF5;
	[smem:$0x3FBB] =	sst s0  }
0x18: {  	s0 =	sld [smem:$0x3F9E];
	_ =	swait.ge [sflag:s4], $0x0  }
0x19: {  	s7 =	sld [smem:$0x3F9F]  }
0x1a: {  	s8 =	sadd.s32 $0xFFFFE003, lr  }
0x1b: {  	s9 =	sadd.s32 $0xFFFFFEF7, lr;
	s5 =	simm.s32 $0xFFFFFFFF;
	p2 =	slt.u32 s8, $0xFFFFF086  }
0x1c: {  	p1 =	slt.u32 s9, $0xF7A;
	s5 =	simm.s32 @!p2 $0x0  }
0x1d: {  	s5 =	simm.s32 @p1 $0x1;
	p0 =	seq.s32 s7, s2  }
0x1e: {  	s7 =	smul.u32 @!p0 $0xF7A, s2;
	p2 =	seq.s32 @!p0 s5, $0x0  }
0x1f: {  	s9 =	smul.u32 $0xF7A, s1;
	s8 =	simm.s32 @!p0 $0x1BF5;
	p2 =	por !p2, p0  }
0x20: {  	[sflag:s8] =	ssyncset.s32 @!p0 $0xFFFFF086;
	s6 =	sadd.s32 @!p0 s3, s7;
	s7 =	simm.s32 @!p0 $0x108  }
0x21: {  	s3 =	sadd.s32 s3, s9;
	s6 =	sadd.s32 @!p0 $0x88, s6;
	s7 =	simm.s32 @p2 $0x1082  }
0x22: {  	[simem:s7], [sflag:s8] =	dma.local @!p0 [hbm:s6], $0xF7A  }
0x23: {  	s9 =	sor.u32 $0xD0000000, s2;
	s6 =	simm.s32 $0x108;
	_ =	swait.ge @!p0 [sflag:s8], $0x0  }
0x24: {  	s3 =	sadd.s32 $0x88, s3;
	s6 =	simm.s32 @!p1 $0x1082;
	[sflag:s4] =	ssyncset.s32 $0xFFFFF086  }
0x25: {  	[simem:s6], [sflag:s4] =	dma.local [hbm:s3], $0xF7A  }
0x26: {  	[smem:$0x3F9F] =	sst s1;
	(tag) =	ssettag s2;
	_ =	strace s9  }
0x27: {  	s1 =	sld [smem:$0x3FAF]  }
0x28: {  	s2 =	sld [smem:$0x3FB0]  }
0x29: {  	s4 =	sld [smem:$0x3FB2]  }
0x2a: {  	p0 =	seq.s32 s5, $0x0;
	s5 =	sld [smem:$0x3FB3]  }
0x2b: {  	s6 =	sld [smem:$0x3FB4]  }
0x2c: {  	s7 =	sld [smem:$0x3FB5]  }
0x2d: {  	s3 =	simm.s32 $0x108;
	s8 =	sld [smem:$0x3FB6]  }
0x2e: {  	s3 =	simm.s32 @!p0 $0x1082;
	s9 =	sld [smem:$0x3FB7]  }
0x2f: {  	lr =	sadd.s32 s0, s3;
	s0 =	sld [smem:$0x3FAE]  }
0x30: {  	s3 =	sld [smem:$0x3FB1]  }
0x31: {  	[smem:$0x3FBA] =	sst s10  }
0x32: {  	s10 =	sld [smem:$0x3FB8];
	_ =	sdelay $0x3  }
0x33: {  	p0 =	seq.s32 s10, $0x1;
	s10 =	sld [smem:$0x3FBA];
	_ =	sdelay $0x3  }
0x34: {  	[smem:$0x3FBA] =	sst s10  }
0x35: {  	s10 =	sld [smem:$0x3FB9];
	_ =	sdelay $0x3  }
0x36: {  	p1 =	seq.s32 s10, $0x1;
	s10 =	sld [smem:$0x3FBA];
	_ =	sdelay $0x3  }
0x37: {  	[smem:$0x3FBA] =	sst s10  }
0x38: {  	s10 =	sld [smem:$0x3FBB]  }
0x39: {  	_ = 	snop;
	(pc) =	sbr.ind lr, $3  }
0x3a: {  	_ = 	snop  }
0x3b: {  	_ = 	snop  }
0x3c: {  	p2 =	seq.s32 s10, $0x1;
	s10 =	sld [smem:$0x3FBA]  }
0x3d: {  	_ =	shalt  }
0x3e: {  	_ =	shalt  }
0x3f: {  	_ =	shalt  }
0x40: {  	_ =	shalt  }
0x41: {  	_ =	shalt  }
0x42: {  	_ =	shalt  }
0x43: {  	_ =	shalt  }
0x44: {  	_ =	shalt  }
0x45: {  	_ =	shalt  }
0x46: {  	_ =	shalt  }
0x47: {  	_ =	shalt  }
0x48: {  	_ =	shalt  }
0x49: {  	_ =	shalt  }
0x4a: {  	_ =	shalt  }
0x4b: {  	_ =	shalt  }
0x4c: {  	_ =	shalt  }
0x4d: {  	_ =	shalt  }
0x4e: {  	_ =	shalt  }
0x4f: {  	_ =	shalt  }
0x50: {  	_ =	shalt  }
0x51: {  	_ =	shalt  }
0x52: {  	_ =	shalt  }
0x53: {  	_ =	shalt  }
0x54: {  	_ =	shalt  }
0x55: {  	_ =	shalt  }
0x56: {  	_ =	shalt  }
0x57: {  	_ =	shalt  }
0x58: {  	_ =	shalt  }
0x59: {  	_ =	shalt  }
0x5a: {  	_ =	shalt  }
0x5b: {  	_ =	shalt  }
0x5c: {  	_ =	shalt  }
0x5d: {  	_ =	shalt  }
0x5e: {  	_ =	shalt  }
0x5f: {  	_ =	shalt  }
0x60: {  	_ =	shalt  }
0x61: {  	_ =	shalt  }
0x62: {  	_ =	shalt  }
0x63: {  	_ =	shalt  }
0x64: {  	_ =	shalt  }
0x65: {  	_ =	shalt  }
0x66: {  	_ =	shalt  }
0x67: {  	_ =	shalt  }
0x68: {  	_ =	shalt  }
0x69: {  	_ =	shalt  }
0x6a: {  	_ =	shalt  }
0x6b: {  	_ =	shalt  }
0x6c: {  	_ =	shalt  }
0x6d: {  	_ =	shalt  }
0x6e: {  	_ =	shalt  }
0x6f: {  	_ =	shalt  }
0x70: {  	_ =	shalt  }
0x71: {  	_ =	shalt  }
0x72: {  	_ =	shalt  }
0x73: {  	_ =	shalt  }
0x74: {  	_ =	shalt  }
0x75: {  	_ =	shalt  }
0x76: {  	_ =	shalt  }
0x77: {  	_ =	shalt  }
0x78: {  	_ =	shalt  }
0x79: {  	_ =	shalt  }
0x7a: {  	_ =	shalt  }
0x7b: {  	_ =	shalt  }
0x7c: {  	_ =	shalt  }
0x7d: {  	_ =	shalt  }
0x7e: {  	_ =	shalt  }
0x7f: {  	_ =	shalt  }
0x80: {  	_ =	shalt  }
0x81: {  	_ =	shalt  }
0x82: {  	_ =	shalt  }
0x83: {  	_ =	shalt  }
0x84: {  	_ =	shalt  }
0x85: {  	_ =	shalt  }
0x86: {  	_ =	shalt  }
0x87: {  	_ =	shalt  }
.Lfunc_end0:
.L_simem_size_0:
called_computation_lowered:
.L_overlay_start_0:
0x88: {  	s0 =	sld [smem:$0x3FD9]  }
0x89: {  	s1 =	sld [smem:$0x3FFE];
	_ =	sdelay $0x3  }
0x8a: {  	s0 =	sadd.s32 s1, s0  }
0x8b: {  	[smem:$0x3FC6] =	sst s0  }
0x8c: {  	_ = 	snop  }
0x8d: {  	s0 =	sld [smem:$0x3FC8]  }
0x8e: {  	s17 =	sld [smem:$0x3FD0];
	(tm) =	ssettm $0x1  }
0x8f: {  	s2 =	sld [smem:$0x3FFB];
	_ =	sdelay $0x3  }
0x90: {  	_ =	strace s2  }
0x91: {  	s2 =	sld [smem:$0x3FFC];
	_ =	sdelay $0x3  }
0x92: {  	_ =	strace s2  }
0x93: {  	s2 =	sld [smem:$0x3FFD];
	_ =	sdelay $0x3  }
0x94: {  	_ =	strace s2  }
0x95: {  	_ =	strace $0x8FFFFFFF  }
0x96: {  	s18 =	sld [smem:$0x3FDB];
	_ =	sdelay $0x1  }
0x97: {  	s3 =	simm.s32 $_scs_section_size  }
0x98: {  	s4 =	simm.s32 $_size__tile_overlayer_lowered;
	s5 =	simm.s32 $_tile_overlayer_lowered  }
0x99: {  	s21 =	simm.s32 $0x1BFF;
	s20 =	sshll.u32 s5, $0x1;
	s2 =	sadd.s32 s3, s18  }
0x9a: {  	s6 =	simm.s32 $0x0;
	s19 =	sshll.u32 s4, $0x1;
	s4 =	sadd.s32 s20, s2  }
0x9b: {  	[timem:s6], [sflag:s21] =	dma.local [hbm:s4], s19  }
0x9c: {  	_ =	swait.ge [sflag:s21], s19  }
0x9d: {  	s3 =	ssub.s32 $0x0, s19;
	[sflag:s21] =	ssyncset.done $0x0  }
0x9e: {  	[sflag:s21] =	ssyncadd.s32 s3;
	_ =	sdelay $0x1  }
0x9f: {  	s22 =	simm.s32 $0x1B8B  }
0xa0: {  	_ =	swait.ge [sflag:s22], $0x1  }
0xa1: {  	[sflag:s22] =	ssyncset.done $0x0  }
0xa2: {  	s23 =	simm.s32 $0x1B8E;
	[sflag:s22] =	ssyncadd.s32 $0xFFFFFFFF  }
0xa3: {  	s24 =	simm.s32 $execute0_lowered;
	[smem:$0x3FD2] =	sst s23  }
0xa4: {  	s3 =	sshll.u32 s24, $0x1;
	_ =	strace $0x80000046;
	[dreg:$0x1] =	wrdreg $0xFFFFFFFF  }
0xa5: {  	s25 =	simm.s32 $_size_execute0_lowered;
	s2 =	sadd.s32 s2, s3;
	[dreg:$0x0] =	wrdreg $0x0  }
0xa6: {  	s3 =	sshll.u32 s25, $0x1;
	[dreg:$0x2] =	wrdreg s2  }
0xa7: {  	[dreg:$0x3] =	wrdreg s3  }
0xa8: {  	[dreg:$0x4] =	wrdreg $0xC0  }
0xa9: {  	_ =	task [dreg:s6], $0x5FFFF  }
0xaa: {  	[dreg:$0x1] =	wrdreg $0xFFFFFFFF  }
0xab: {  	[dreg:$0x0] =	wrdreg $0x60  }
0xac: {  	[dreg:$0x2] =	wrdreg s0  }
0xad: {  	[dreg:$0x3] =	wrdreg s17  }
0xae: {  	[dreg:$0x4] =	wrdreg $0x9  }
0xaf: {  	_ =	task.clear_ibuf [dreg:s6], $0x5FFFF;
	_ =	strace $0x90000046  }
0xb0: {  	s26 =	simm.s32 $0x9;
	_ =	strace $0x80000048  }
0xb1: {  	_ =	swait.ge [sflag:s26], $0x1  }
0xb2: {  	[sflag:s26] =	ssyncadd.s32 $0xFFFFFFFF  }
0xb3: {  	_ =	strace $0x90000048  }
0xb4: {  	_ =	sfence  }
0xb5: {  	s28 =	sld [smem:$0x0];
	_ =	sdelay $0x1  }
0xb6: {  	s29 =	srdreg.scid  }
0xb7: {  	s30 =	sshll.u32 s29, $0xD;
	s31 =	sshrl.u32 s29, $0x2  }
0xb8: {  	s1 =	sand.u32 $0x1, s29;
	s2 =	sand.u32 $0x4000, s30;
	s0 =	sadd.s32 s31, s28  }
0xb9: {  	s1 =	sor.u32 s2, s1;
	s0 =	sshll.u32 s0, $0x11  }
0xba: {  	s0 =	sor.u32 s0, s1  }
0xbb: {  	s0 =	sadd.s32 $0x8F2B, s0  }
0xbc: {  	[sflag:s0] =	ssyncadd.remote.s32 $0x1  }
0xbd: {  	_ =	sfence.sel $0xFFFF  }
0xbe: {  	[dreg:$0x0] =	wrdreg $0xFFFFFFFF;
	(pc) =	sbr.abs _section_cstart, $3  }
0xbf: {  	[dreg:$0x1] =	wrdreg $0xFFFFFFFF  }
0xc0: {  	_ =	task.clear_ibuf [dreg:s6], $0x2FFFF;
	_ =	strace $0x9FFFFFFF  }
0xc1: {  	(tm) =	ssettm $0x7FFFFFFF  }
tec
execute0_lowered:
.L_overlay_start_1:
0x0: {  	(tag) =	ssettag $0x1  }
0x1: {  	s3 =	rddreg [dreg:$0x0]  }
0x2: {  	s1 =	rddreg [dreg:$0x1];
	s2 =	simm.s32 $0x0  }
0x3: {  	[smem:$0x7FF] =	sst s2  }
0x4: {  	s0 =	rddreg [dreg:$0x2];
	s30 =	simm.s32 $0x1;
	_ =	strace $0x80000047  }
0x5: {  	[tilespmem:s2], [sflag:$0x1] =	stream.linear.gather [hbm4b:s3+s2], $0x400, $0x38;
	[tilespmem:$0x500] =	vst v63  }
0x6: {  	_ =	swait.ge [sflag:s30], $0x400  }
0x7: {  	[sflag:s30] =	ssyncset.done $0x0  }
0x8: {  	v1 =	vimm.f32 $1.000000000e+00;
	[sflag:s30] =	ssyncadd.s32 $0xFFFFFC00  }
0x9: {  	[tilespmem:$0x400] =	vst v1  }
0xa: {  	[tilespmem:$0x410] =	vst v1  }
0xb: {  	[tilespmem:$0x420] =	vst v1  }
0xc: {  	[tilespmem:$0x430] =	vst v1;
	v2 =	vld [tilespmem:$0x0]  }
0xd: {  	[tilespmem:$0x440] =	vst v1  }
0xe: {  	s4 =	stileid.u32;
	[tilespmem:$0x450] =	vst v1  }
0xf: {  	s5 =	sshll.u32 s4, $0x8;
	[tilespmem:$0x460] =	vst v1  }
0x10: {  	v0 =	vmov s5;
	[tilespmem:$0x470] =	vst v1  }
0x11: {  	[tilespmem:$0x480] =	vst v1;
	v2 =	vsub.s32 v2, v0  }
0x12: {  	[tilespmem:$0x490] =	vst v1;
	vm0 =	vgt.s32 v2, $0x0  }
0x13: {  	[tilespmem:$0x4A0] =	vst v1;
	vm1 =	vlt.u32 v2, $0x100;
	v2 =	vnsel vm0, $0x0, v2  }
0x14: {  	[tilespmem:$0x4B0] =	vst v1;
	v2 =	vmin.u32 v2, $0xFF  }
0x15: {  	[tilespmem:$0x4C0] =	vst v1  }
0x16: {  	[tilespmem:$0x4D0] =	vst v1  }
0x17: {  	[tilespmem:$0x4E0] =	vst v1  }
0x18: {  	v63 =	vimm.f32 $0.0e+00;
	s31 =	simm.s32 $0x400;
	[tilespmem:$0x4F0] =	vst v1  }
0x19: {  	[tilespmem:v2+s31+$0x0] =	vst.idx.msk vm1, v63  }
0x1a: {  	v2 =	vld [tilespmem:$0x10];
	_ =	sdelay $0x4  }
0x1b: {  	v2 =	vsub.s32 v2, v0  }
0x1c: {  	vm10 =	vgt.s32 v2, $0x0  }
0x1d: {  	vm11 =	vlt.u32 v2, $0x100;
	v2 =	vnsel vm10, $0x0, v2  }
0x1e: {  	v2 =	vmin.u32 v2, $0xFF;
	_ =	sdelay $0x4  }
0x1f: {  	[tilespmem:v2+s31+$0x0] =	vst.idx.msk vm11, v63  }
0x20: {  	v2 =	vld [tilespmem:$0x20];
	_ =	sdelay $0x4  }
0x21: {  	v2 =	vsub.s32 v2, v0  }
0x22: {  	vm12 =	vgt.s32 v2, $0x0  }
0x23: {  	vm13 =	vlt.u32 v2, $0x100;
	v2 =	vnsel vm12, $0x0, v2  }
0x24: {  	v2 =	vmin.u32 v2, $0xFF;
	_ =	sdelay $0x4  }
0x25: {  	[tilespmem:v2+s31+$0x0] =	vst.idx.msk vm13, v63  }
0x26: {  	v2 =	vld [tilespmem:$0x30];
	_ =	sdelay $0x4  }
0x27: {  	v2 =	vsub.s32 v2, v0  }
0x28: {  	vm14 =	vgt.s32 v2, $0x0  }
0x29: {  	vm15 =	vlt.u32 v2, $0x100;
	v2 =	vnsel vm14, $0x0, v2  }
0x2a: {  	v2 =	vmin.u32 v2, $0xFF;
	_ =	sdelay $0x4  }
0x2b: {  	[tilespmem:v2+s31+$0x0] =	vst.idx.msk vm15, v63  }
0x2c: {  	v2 =	vld [tilespmem:$0x40];
	_ =	sdelay $0x4  }
0x2d: {  	v2 =	vsub.s32 v2, v0  }
0x2e: {  	vm4 =	vgt.s32 v2, $0x0  }
0x2f: {  	vm5 =	vlt.u32 v2, $0x100;
	v2 =	vnsel vm4, $0x0, v2  }
0x30: {  	v2 =	vmin.u32 v2, $0xFF;
	_ =	sdelay $0x4  }
0x31: {  	[tilespmem:v2+s31+$0x0] =	vst.idx.msk vm5, v63  }
0x32: {  	v2 =	vld [tilespmem:$0x50];
	_ =	sdelay $0x4  }
0x33: {  	v2 =	vsub.s32 v2, v0  }
0x34: {  	vm6 =	vgt.s32 v2, $0x0  }
0x35: {  	vm7 =	vlt.u32 v2, $0x100;
	v2 =	vnsel vm6, $0x0, v2  }
0x36: {  	v2 =	vmin.u32 v2, $0xFF;
	_ =	sdelay $0x4  }
0x37: {  	[tilespmem:v2+s31+$0x0] =	vst.idx.msk vm7, v63  }
0x38: {  	v2 =	vld [tilespmem:$0x60];
	_ =	sdelay $0x4  }
0x39: {  	v2 =	vsub.s32 v2, v0  }
0x3a: {  	vm8 =	vgt.s32 v2, $0x0  }
0x3b: {  	vm9 =	vlt.u32 v2, $0x100;
	v2 =	vnsel vm8, $0x0, v2  }
0x3c: {  	v2 =	vmin.u32 v2, $0xFF;
	_ =	sdelay $0x4  }
0x3d: {  	[tilespmem:v2+s31+$0x0] =	vst.idx.msk vm9, v63  }
0x3e: {  	v2 =	vld [tilespmem:$0x70];
	_ =	sdelay $0x4  }
0x3f: {  	v2 =	vsub.s32 v2, v0  }
0x40: {  	vm10 =	vgt.s32 v2, $0x0  }
0x41: {  	vm11 =	vlt.u32 v2, $0x100;
	v2 =	vnsel vm10, $0x0, v2  }
0x42: {  	v2 =	vmin.u32 v2, $0xFF;
	_ =	sdelay $0x4  }
0x43: {  	[tilespmem:v2+s31+$0x0] =	vst.idx.msk vm11, v63  }
0x44: {  	v2 =	vld [tilespmem:$0x80];
	_ =	sdelay $0x4  }
0x45: {  	v2 =	vsub.s32 v2, v0  }
0x46: {  	vm12 =	vgt.s32 v2, $0x0  }
0x47: {  	vm13 =	vlt.u32 v2, $0x100;
	v2 =	vnsel vm12, $0x0, v2  }
0x48: {  	v2 =	vmin.u32 v2, $0xFF;
	_ =	sdelay $0x4  }
0x49: {  	[tilespmem:v2+s31+$0x0] =	vst.idx.msk vm13, v63  }
0x4a: {  	v2 =	vld [tilespmem:$0x90];
	_ =	sdelay $0x4  }
0x4b: {  	v2 =	vsub.s32 v2, v0  }
0x4c: {  	vm14 =	vgt.s32 v2, $0x0  }
0x4d: {  	vm15 =	vlt.u32 v2, $0x100;
	v2 =	vnsel vm14, $0x0, v2  }
0x4e: {  	v2 =	vmin.u32 v2, $0xFF;
	_ =	sdelay $0x4  }
0x4f: {  	[tilespmem:v2+s31+$0x0] =	vst.idx.msk vm15, v63  }
0x50: {  	v2 =	vld [tilespmem:$0xA0];
	_ =	sdelay $0x4  }
0x51: {  	v2 =	vsub.s32 v2, v0  }
0x52: {  	vm4 =	vgt.s32 v2, $0x0  }
0x53: {  	vm5 =	vlt.u32 v2, $0x100;
	v2 =	vnsel vm4, $0x0, v2  }
0x54: {  	v2 =	vmin.u32 v2, $0xFF;
	_ =	sdelay $0x4  }
0x55: {  	[tilespmem:v2+s31+$0x0] =	vst.idx.msk vm5, v63  }
0x56: {  	v2 =	vld [tilespmem:$0xB0];
	_ =	sdelay $0x4  }
0x57: {  	v2 =	vsub.s32 v2, v0  }
0x58: {  	vm6 =	vgt.s32 v2, $0x0  }
0x59: {  	vm7 =	vlt.u32 v2, $0x100;
	v2 =	vnsel vm6, $0x0, v2  }
0x5a: {  	v2 =	vmin.u32 v2, $0xFF;
	_ =	sdelay $0x4  }
0x5b: {  	[tilespmem:v2+s31+$0x0] =	vst.idx.msk vm7, v63  }
0x5c: {  	v2 =	vld [tilespmem:$0xC0];
	_ =	sdelay $0x4  }
0x5d: {  	v2 =	vsub.s32 v2, v0  }
0x5e: {  	vm8 =	vgt.s32 v2, $0x0  }
0x5f: {  	vm9 =	vlt.u32 v2, $0x100;
	v2 =	vnsel vm8, $0x0, v2  }
0x60: {  	v2 =	vmin.u32 v2, $0xFF;
	_ =	sdelay $0x4  }
0x61: {  	[tilespmem:v2+s31+$0x0] =	vst.idx.msk vm9, v63  }
0x62: {  	v2 =	vld [tilespmem:$0xD0];
	_ =	sdelay $0x4  }
0x63: {  	v2 =	vsub.s32 v2, v0  }
0x64: {  	vm10 =	vgt.s32 v2, $0x0  }
0x65: {  	vm11 =	vlt.u32 v2, $0x100;
	v2 =	vnsel vm10, $0x0, v2  }
0x66: {  	v2 =	vmin.u32 v2, $0xFF;
	_ =	sdelay $0x4  }
0x67: {  	[tilespmem:v2+s31+$0x0] =	vst.idx.msk vm11, v63  }
0x68: {  	v2 =	vld [tilespmem:$0xE0];
	_ =	sdelay $0x4  }
0x69: {  	v2 =	vsub.s32 v2, v0  }
0x6a: {  	vm12 =	vgt.s32 v2, $0x0  }
0x6b: {  	vm13 =	vlt.u32 v2, $0x100;
	v2 =	vnsel vm12, $0x0, v2  }
0x6c: {  	v2 =	vmin.u32 v2, $0xFF;
	_ =	sdelay $0x4  }
0x6d: {  	[tilespmem:v2+s31+$0x0] =	vst.idx.msk vm13, v63  }
0x6e: {  	v2 =	vld [tilespmem:$0xF0];
	_ =	sdelay $0x4  }
0x6f: {  	v2 =	vsub.s32 v2, v0  }
0x70: {  	vm14 =	vgt.s32 v2, $0x0  }
0x71: {  	vm15 =	vlt.u32 v2, $0x100;
	v2 =	vnsel vm14, $0x0, v2  }
0x72: {  	v2 =	vmin.u32 v2, $0xFF;
	_ =	sdelay $0x4  }
0x73: {  	[tilespmem:v2+s31+$0x0] =	vst.idx.msk vm15, v63  }
0x74: {  	v2 =	vld [tilespmem:$0x100];
	_ =	sdelay $0x4  }
0x75: {  	v2 =	vsub.s32 v2, v0  }
0x76: {  	vm4 =	vgt.s32 v2, $0x0  }
0x77: {  	vm5 =	vlt.u32 v2, $0x100;
	v2 =	vnsel vm4, $0x0, v2  }
0x78: {  	v2 =	vmin.u32 v2, $0xFF;
	_ =	sdelay $0x4  }
0x79: {  	[tilespmem:v2+s31+$0x0] =	vst.idx.msk vm5, v63  }
0x7a: {  	v2 =	vld [tilespmem:$0x110];
	_ =	sdelay $0x4  }
0x7b: {  	v2 =	vsub.s32 v2, v0  }
0x7c: {  	vm6 =	vgt.s32 v2, $0x0  }
0x7d: {  	vm7 =	vlt.u32 v2, $0x100;
	v2 =	vnsel vm6, $0x0, v2  }
0x7e: {  	v2 =	vmin.u32 v2, $0xFF;
	_ =	sdelay $0x4  }
0x7f: {  	[tilespmem:v2+s31+$0x0] =	vst.idx.msk vm7, v63  }
0x80: {  	v2 =	vld [tilespmem:$0x120];
	_ =	sdelay $0x4  }
0x81: {  	v2 =	vsub.s32 v2, v0  }
0x82: {  	vm8 =	vgt.s32 v2, $0x0  }
0x83: {  	vm9 =	vlt.u32 v2, $0x100;
	v2 =	vnsel vm8, $0x0, v2  }
0x84: {  	v2 =	vmin.u32 v2, $0xFF;
	_ =	sdelay $0x4  }
0x85: {  	[tilespmem:v2+s31+$0x0] =	vst.idx.msk vm9, v63  }
0x86: {  	v2 =	vld [tilespmem:$0x130];
	_ =	sdelay $0x4  }
0x87: {  	v2 =	vsub.s32 v2, v0  }
0x88: {  	vm10 =	vgt.s32 v2, $0x0  }
0x89: {  	vm11 =	vlt.u32 v2, $0x100;
	v2 =	vnsel vm10, $0x0, v2  }
0x8a: {  	v2 =	vmin.u32 v2, $0xFF;
	_ =	sdelay $0x4  }
0x8b: {  	[tilespmem:v2+s31+$0x0] =	vst.idx.msk vm11, v63  }
0x8c: {  	v2 =	vld [tilespmem:$0x140];
	_ =	sdelay $0x4  }
0x8d: {  	v2 =	vsub.s32 v2, v0  }
0x8e: {  	vm12 =	vgt.s32 v2, $0x0  }
0x8f: {  	vm13 =	vlt.u32 v2, $0x100;
	v2 =	vnsel vm12, $0x0, v2  }
0x90: {  	v2 =	vmin.u32 v2, $0xFF;
	_ =	sdelay $0x4  }
0x91: {  	[tilespmem:v2+s31+$0x0] =	vst.idx.msk vm13, v63  }
0x92: {  	v2 =	vld [tilespmem:$0x150];
	_ =	sdelay $0x4  }
0x93: {  	v2 =	vsub.s32 v2, v0  }
0x94: {  	vm14 =	vgt.s32 v2, $0x0  }
0x95: {  	vm15 =	vlt.u32 v2, $0x100;
	v2 =	vnsel vm14, $0x0, v2  }
0x96: {  	v2 =	vmin.u32 v2, $0xFF;
	_ =	sdelay $0x4  }
0x97: {  	[tilespmem:v2+s31+$0x0] =	vst.idx.msk vm15, v63  }
0x98: {  	v2 =	vld [tilespmem:$0x160];
	_ =	sdelay $0x4  }
0x99: {  	v2 =	vsub.s32 v2, v0  }
0x9a: {  	vm4 =	vgt.s32 v2, $0x0  }
0x9b: {  	vm5 =	vlt.u32 v2, $0x100;
	v2 =	vnsel vm4, $0x0, v2  }
0x9c: {  	v2 =	vmin.u32 v2, $0xFF;
	_ =	sdelay $0x4  }
0x9d: {  	[tilespmem:v2+s31+$0x0] =	vst.idx.msk vm5, v63  }
0x9e: {  	v2 =	vld [tilespmem:$0x170];
	_ =	sdelay $0x4  }
0x9f: {  	v2 =	vsub.s32 v2, v0  }
0xa0: {  	vm6 =	vgt.s32 v2, $0x0  }
0xa1: {  	vm7 =	vlt.u32 v2, $0x100;
	v2 =	vnsel vm6, $0x0, v2  }
0xa2: {  	v2 =	vmin.u32 v2, $0xFF;
	_ =	sdelay $0x4  }
0xa3: {  	[tilespmem:v2+s31+$0x0] =	vst.idx.msk vm7, v63  }
0xa4: {  	v2 =	vld [tilespmem:$0x180];
	_ =	sdelay $0x4  }
0xa5: {  	v2 =	vsub.s32 v2, v0  }
0xa6: {  	vm8 =	vgt.s32 v2, $0x0  }
0xa7: {  	vm9 =	vlt.u32 v2, $0x100;
	v2 =	vnsel vm8, $0x0, v2  }
0xa8: {  	v2 =	vmin.u32 v2, $0xFF;
	_ =	sdelay $0x4  }
0xa9: {  	[tilespmem:v2+s31+$0x0] =	vst.idx.msk vm9, v63  }
0xaa: {  	v2 =	vld [tilespmem:$0x190];
	_ =	sdelay $0x4  }
0xab: {  	v2 =	vsub.s32 v2, v0  }
0xac: {  	vm10 =	vgt.s32 v2, $0x0  }
0xad: {  	vm11 =	vlt.u32 v2, $0x100;
	v2 =	vnsel vm10, $0x0, v2  }
0xae: {  	v2 =	vmin.u32 v2, $0xFF;
	_ =	sdelay $0x4  }
0xaf: {  	[tilespmem:v2+s31+$0x0] =	vst.idx.msk vm11, v63  }
0xb0: {  	v2 =	vld [tilespmem:$0x1A0];
	_ =	sdelay $0x4  }
0xb1: {  	v2 =	vsub.s32 v2, v0  }
0xb2: {  	vm12 =	vgt.s32 v2, $0x0  }
0xb3: {  	vm13 =	vlt.u32 v2, $0x100;
	v2 =	vnsel vm12, $0x0, v2  }
0xb4: {  	v2 =	vmin.u32 v2, $0xFF;
	_ =	sdelay $0x4  }
0xb5: {  	[tilespmem:v2+s31+$0x0] =	vst.idx.msk vm13, v63  }
0xb6: {  	v2 =	vld [tilespmem:$0x1B0];
	_ =	sdelay $0x4  }
0xb7: {  	v2 =	vsub.s32 v2, v0  }
0xb8: {  	vm14 =	vgt.s32 v2, $0x0  }
0xb9: {  	vm15 =	vlt.u32 v2, $0x100;
	v2 =	vnsel vm14, $0x0, v2  }
0xba: {  	v2 =	vmin.u32 v2, $0xFF;
	_ =	sdelay $0x4  }
0xbb: {  	[tilespmem:v2+s31+$0x0] =	vst.idx.msk vm15, v63  }
0xbc: {  	v2 =	vld [tilespmem:$0x1C0];
	_ =	sdelay $0x4  }
0xbd: {  	v2 =	vsub.s32 v2, v0  }
0xbe: {  	vm4 =	vgt.s32 v2, $0x0  }
0xbf: {  	vm5 =	vlt.u32 v2, $0x100;
	v2 =	vnsel vm4, $0x0, v2  }
0xc0: {  	v2 =	vmin.u32 v2, $0xFF;
	_ =	sdelay $0x4  }
0xc1: {  	[tilespmem:v2+s31+$0x0] =	vst.idx.msk vm5, v63  }
0xc2: {  	v2 =	vld [tilespmem:$0x1D0];
	_ =	sdelay $0x4  }
0xc3: {  	v2 =	vsub.s32 v2, v0  }
0xc4: {  	vm6 =	vgt.s32 v2, $0x0  }
0xc5: {  	vm7 =	vlt.u32 v2, $0x100;
	v2 =	vnsel vm6, $0x0, v2  }
0xc6: {  	v2 =	vmin.u32 v2, $0xFF;
	_ =	sdelay $0x4  }
0xc7: {  	[tilespmem:v2+s31+$0x0] =	vst.idx.msk vm7, v63  }
0xc8: {  	v2 =	vld [tilespmem:$0x1E0];
	_ =	sdelay $0x4  }
0xc9: {  	v2 =	vsub.s32 v2, v0  }
0xca: {  	vm8 =	vgt.s32 v2, $0x0  }
0xcb: {  	vm9 =	vlt.u32 v2, $0x100;
	v2 =	vnsel vm8, $0x0, v2  }
0xcc: {  	v2 =	vmin.u32 v2, $0xFF;
	_ =	sdelay $0x4  }
0xcd: {  	[tilespmem:v2+s31+$0x0] =	vst.idx.msk vm9, v63  }
0xce: {  	v2 =	vld [tilespmem:$0x1F0];
	_ =	sdelay $0x4  }
0xcf: {  	v2 =	vsub.s32 v2, v0  }
0xd0: {  	vm10 =	vgt.s32 v2, $0x0  }
0xd1: {  	vm11 =	vlt.u32 v2, $0x100;
	v2 =	vnsel vm10, $0x0, v2  }
0xd2: {  	v2 =	vmin.u32 v2, $0xFF;
	_ =	sdelay $0x4  }
0xd3: {  	[tilespmem:v2+s31+$0x0] =	vst.idx.msk vm11, v63  }
0xd4: {  	v2 =	vld [tilespmem:$0x200];
	_ =	sdelay $0x4  }
0xd5: {  	v2 =	vsub.s32 v2, v0  }
0xd6: {  	vm12 =	vgt.s32 v2, $0x0  }
0xd7: {  	vm13 =	vlt.u32 v2, $0x100;
	v2 =	vnsel vm12, $0x0, v2  }
0xd8: {  	v2 =	vmin.u32 v2, $0xFF;
	_ =	sdelay $0x4  }
0xd9: {  	[tilespmem:v2+s31+$0x0] =	vst.idx.msk vm13, v63  }
0xda: {  	v2 =	vld [tilespmem:$0x210];
	_ =	sdelay $0x4  }
0xdb: {  	v2 =	vsub.s32 v2, v0  }
0xdc: {  	vm14 =	vgt.s32 v2, $0x0  }
0xdd: {  	vm15 =	vlt.u32 v2, $0x100;
	v2 =	vnsel vm14, $0x0, v2  }
0xde: {  	v2 =	vmin.u32 v2, $0xFF;
	_ =	sdelay $0x4  }
0xdf: {  	[tilespmem:v2+s31+$0x0] =	vst.idx.msk vm15, v63  }
0xe0: {  	v2 =	vld [tilespmem:$0x220];
	_ =	sdelay $0x4  }
0xe1: {  	v2 =	vsub.s32 v2, v0  }
0xe2: {  	vm4 =	vgt.s32 v2, $0x0  }
0xe3: {  	vm5 =	vlt.u32 v2, $0x100;
	v2 =	vnsel vm4, $0x0, v2  }
0xe4: {  	v2 =	vmin.u32 v2, $0xFF;
	_ =	sdelay $0x4  }
0xe5: {  	[tilespmem:v2+s31+$0x0] =	vst.idx.msk vm5, v63  }
0xe6: {  	v2 =	vld [tilespmem:$0x230];
	_ =	sdelay $0x4  }
0xe7: {  	v2 =	vsub.s32 v2, v0  }
0xe8: {  	vm6 =	vgt.s32 v2, $0x0  }
0xe9: {  	vm7 =	vlt.u32 v2, $0x100;
	v2 =	vnsel vm6, $0x0, v2  }
0xea: {  	v2 =	vmin.u32 v2, $0xFF;
	_ =	sdelay $0x4  }
0xeb: {  	[tilespmem:v2+s31+$0x0] =	vst.idx.msk vm7, v63  }
0xec: {  	v2 =	vld [tilespmem:$0x240];
	_ =	sdelay $0x4  }
0xed: {  	v2 =	vsub.s32 v2, v0  }
0xee: {  	vm8 =	vgt.s32 v2, $0x0  }
0xef: {  	vm9 =	vlt.u32 v2, $0x100;
	v2 =	vnsel vm8, $0x0, v2  }
0xf0: {  	v2 =	vmin.u32 v2, $0xFF;
	_ =	sdelay $0x4  }
0xf1: {  	[tilespmem:v2+s31+$0x0] =	vst.idx.msk vm9, v63  }
0xf2: {  	v2 =	vld [tilespmem:$0x250];
	_ =	sdelay $0x4  }
0xf3: {  	v2 =	vsub.s32 v2, v0  }
0xf4: {  	vm10 =	vgt.s32 v2, $0x0  }
0xf5: {  	vm11 =	vlt.u32 v2, $0x100;
	v2 =	vnsel vm10, $0x0, v2  }
0xf6: {  	v2 =	vmin.u32 v2, $0xFF;
	_ =	sdelay $0x4  }
0xf7: {  	[tilespmem:v2+s31+$0x0] =	vst.idx.msk vm11, v63  }
0xf8: {  	v2 =	vld [tilespmem:$0x260];
	_ =	sdelay $0x4  }
0xf9: {  	v2 =	vsub.s32 v2, v0  }
0xfa: {  	vm12 =	vgt.s32 v2, $0x0  }
0xfb: {  	vm13 =	vlt.u32 v2, $0x100;
	v2 =	vnsel vm12, $0x0, v2  }
0xfc: {  	v2 =	vmin.u32 v2, $0xFF;
	_ =	sdelay $0x4  }
0xfd: {  	[tilespmem:v2+s31+$0x0] =	vst.idx.msk vm13, v63  }
0xfe: {  	v2 =	vld [tilespmem:$0x270];
	_ =	sdelay $0x4  }
0xff: {  	v2 =	vsub.s32 v2, v0  }
0x100: {  	vm14 =	vgt.s32 v2, $0x0  }
0x101: {  	vm15 =	vlt.u32 v2, $0x100;
	v2 =	vnsel vm14, $0x0, v2  }
0x102: {  	v2 =	vmin.u32 v2, $0xFF;
	_ =	sdelay $0x4  }
0x103: {  	[tilespmem:v2+s31+$0x0] =	vst.idx.msk vm15, v63  }
0x104: {  	v2 =	vld [tilespmem:$0x280];
	_ =	sdelay $0x4  }
0x105: {  	v2 =	vsub.s32 v2, v0  }
0x106: {  	vm4 =	vgt.s32 v2, $0x0  }
0x107: {  	vm5 =	vlt.u32 v2, $0x100;
	v2 =	vnsel vm4, $0x0, v2  }
0x108: {  	v2 =	vmin.u32 v2, $0xFF;
	_ =	sdelay $0x4  }
0x109: {  	[tilespmem:v2+s31+$0x0] =	vst.idx.msk vm5, v63  }
0x10a: {  	v2 =	vld [tilespmem:$0x290];
	_ =	sdelay $0x4  }
0x10b: {  	v2 =	vsub.s32 v2, v0  }
0x10c: {  	vm6 =	vgt.s32 v2, $0x0  }
0x10d: {  	vm7 =	vlt.u32 v2, $0x100;
	v2 =	vnsel vm6, $0x0, v2  }
0x10e: {  	v2 =	vmin.u32 v2, $0xFF;
	_ =	sdelay $0x4  }
0x10f: {  	[tilespmem:v2+s31+$0x0] =	vst.idx.msk vm7, v63  }
0x110: {  	v2 =	vld [tilespmem:$0x2A0];
	_ =	sdelay $0x4  }
0x111: {  	v2 =	vsub.s32 v2, v0  }
0x112: {  	vm8 =	vgt.s32 v2, $0x0  }
0x113: {  	vm9 =	vlt.u32 v2, $0x100;
	v2 =	vnsel vm8, $0x0, v2  }
0x114: {  	v2 =	vmin.u32 v2, $0xFF;
	_ =	sdelay $0x4  }
0x115: {  	[tilespmem:v2+s31+$0x0] =	vst.idx.msk vm9, v63  }
0x116: {  	v2 =	vld [tilespmem:$0x2B0];
	_ =	sdelay $0x4  }
0x117: {  	v2 =	vsub.s32 v2, v0  }
0x118: {  	vm10 =	vgt.s32 v2, $0x0  }
0x119: {  	vm11 =	vlt.u32 v2, $0x100;
	v2 =	vnsel vm10, $0x0, v2  }
0x11a: {  	v2 =	vmin.u32 v2, $0xFF;
	_ =	sdelay $0x4  }
0x11b: {  	[tilespmem:v2+s31+$0x0] =	vst.idx.msk vm11, v63  }
0x11c: {  	v2 =	vld [tilespmem:$0x2C0];
	_ =	sdelay $0x4  }
0x11d: {  	v2 =	vsub.s32 v2, v0  }
0x11e: {  	vm12 =	vgt.s32 v2, $0x0  }
0x11f: {  	vm13 =	vlt.u32 v2, $0x100;
	v2 =	vnsel vm12, $0x0, v2  }
0x120: {  	v2 =	vmin.u32 v2, $0xFF;
	_ =	sdelay $0x4  }
0x121: {  	[tilespmem:v2+s31+$0x0] =	vst.idx.msk vm13, v63  }
0x122: {  	v2 =	vld [tilespmem:$0x2D0];
	_ =	sdelay $0x4  }
0x123: {  	v2 =	vsub.s32 v2, v0  }
0x124: {  	vm14 =	vgt.s32 v2, $0x0  }
0x125: {  	vm15 =	vlt.u32 v2, $0x100;
	v2 =	vnsel vm14, $0x0, v2  }
0x126: {  	v2 =	vmin.u32 v2, $0xFF;
	_ =	sdelay $0x4  }
0x127: {  	[tilespmem:v2+s31+$0x0] =	vst.idx.msk vm15, v63  }
0x128: {  	v2 =	vld [tilespmem:$0x2E0];
	_ =	sdelay $0x4  }
0x129: {  	v2 =	vsub.s32 v2, v0  }
0x12a: {  	vm4 =	vgt.s32 v2, $0x0  }
0x12b: {  	vm5 =	vlt.u32 v2, $0x100;
	v2 =	vnsel vm4, $0x0, v2  }
0x12c: {  	v2 =	vmin.u32 v2, $0xFF;
	_ =	sdelay $0x4  }
0x12d: {  	[tilespmem:v2+s31+$0x0] =	vst.idx.msk vm5, v63  }
0x12e: {  	v2 =	vld [tilespmem:$0x2F0];
	_ =	sdelay $0x4  }
0x12f: {  	v2 =	vsub.s32 v2, v0  }
0x130: {  	vm6 =	vgt.s32 v2, $0x0  }
0x131: {  	vm7 =	vlt.u32 v2, $0x100;
	v2 =	vnsel vm6, $0x0, v2  }
0x132: {  	v2 =	vmin.u32 v2, $0xFF;
	_ =	sdelay $0x4  }
0x133: {  	[tilespmem:v2+s31+$0x0] =	vst.idx.msk vm7, v63  }
0x134: {  	v2 =	vld [tilespmem:$0x300];
	_ =	sdelay $0x4  }
0x135: {  	v2 =	vsub.s32 v2, v0  }
0x136: {  	vm8 =	vgt.s32 v2, $0x0  }
0x137: {  	vm9 =	vlt.u32 v2, $0x100;
	v2 =	vnsel vm8, $0x0, v2  }
0x138: {  	v2 =	vmin.u32 v2, $0xFF;
	_ =	sdelay $0x4  }
0x139: {  	[tilespmem:v2+s31+$0x0] =	vst.idx.msk vm9, v63  }
0x13a: {  	v2 =	vld [tilespmem:$0x310];
	_ =	sdelay $0x4  }
0x13b: {  	v2 =	vsub.s32 v2, v0  }
0x13c: {  	vm10 =	vgt.s32 v2, $0x0  }
0x13d: {  	vm11 =	vlt.u32 v2, $0x100;
	v2 =	vnsel vm10, $0x0, v2  }
0x13e: {  	v2 =	vmin.u32 v2, $0xFF;
	_ =	sdelay $0x4  }
0x13f: {  	[tilespmem:v2+s31+$0x0] =	vst.idx.msk vm11, v63  }
0x140: {  	v2 =	vld [tilespmem:$0x320];
	_ =	sdelay $0x4  }
0x141: {  	v2 =	vsub.s32 v2, v0  }
0x142: {  	vm12 =	vgt.s32 v2, $0x0  }
0x143: {  	vm13 =	vlt.u32 v2, $0x100;
	v2 =	vnsel vm12, $0x0, v2  }
0x144: {  	v2 =	vmin.u32 v2, $0xFF;
	_ =	sdelay $0x4  }
0x145: {  	[tilespmem:v2+s31+$0x0] =	vst.idx.msk vm13, v63  }
0x146: {  	v2 =	vld [tilespmem:$0x330];
	_ =	sdelay $0x4  }
0x147: {  	v2 =	vsub.s32 v2, v0  }
0x148: {  	vm14 =	vgt.s32 v2, $0x0  }
0x149: {  	vm15 =	vlt.u32 v2, $0x100;
	v2 =	vnsel vm14, $0x0, v2  }
0x14a: {  	v2 =	vmin.u32 v2, $0xFF;
	_ =	sdelay $0x4  }
0x14b: {  	[tilespmem:v2+s31+$0x0] =	vst.idx.msk vm15, v63  }
0x14c: {  	v2 =	vld [tilespmem:$0x340];
	_ =	sdelay $0x4  }
0x14d: {  	v2 =	vsub.s32 v2, v0  }
0x14e: {  	vm4 =	vgt.s32 v2, $0x0  }
0x14f: {  	vm5 =	vlt.u32 v2, $0x100;
	v2 =	vnsel vm4, $0x0, v2  }
0x150: {  	v2 =	vmin.u32 v2, $0xFF;
	_ =	sdelay $0x4  }
0x151: {  	[tilespmem:v2+s31+$0x0] =	vst.idx.msk vm5, v63  }
0x152: {  	v2 =	vld [tilespmem:$0x350];
	_ =	sdelay $0x4  }
0x153: {  	v2 =	vsub.s32 v2, v0  }
0x154: {  	vm6 =	vgt.s32 v2, $0x0  }
0x155: {  	vm7 =	vlt.u32 v2, $0x100;
	v2 =	vnsel vm6, $0x0, v2  }
0x156: {  	v2 =	vmin.u32 v2, $0xFF;
	_ =	sdelay $0x4  }
0x157: {  	[tilespmem:v2+s31+$0x0] =	vst.idx.msk vm7, v63  }
0x158: {  	v2 =	vld [tilespmem:$0x360];
	_ =	sdelay $0x4  }
0x159: {  	v2 =	vsub.s32 v2, v0  }
0x15a: {  	vm8 =	vgt.s32 v2, $0x0  }
0x15b: {  	vm9 =	vlt.u32 v2, $0x100;
	v2 =	vnsel vm8, $0x0, v2  }
0x15c: {  	v2 =	vmin.u32 v2, $0xFF;
	_ =	sdelay $0x4  }
0x15d: {  	[tilespmem:v2+s31+$0x0] =	vst.idx.msk vm9, v63  }
0x15e: {  	v2 =	vld [tilespmem:$0x370];
	_ =	sdelay $0x4  }
0x15f: {  	v2 =	vsub.s32 v2, v0  }
0x160: {  	vm10 =	vgt.s32 v2, $0x0  }
0x161: {  	vm11 =	vlt.u32 v2, $0x100;
	v2 =	vnsel vm10, $0x0, v2  }
0x162: {  	v2 =	vmin.u32 v2, $0xFF;
	_ =	sdelay $0x4  }
0x163: {  	[tilespmem:v2+s31+$0x0] =	vst.idx.msk vm11, v63  }
0x164: {  	v2 =	vld [tilespmem:$0x380];
	_ =	sdelay $0x4  }
0x165: {  	v2 =	vsub.s32 v2, v0  }
0x166: {  	vm12 =	vgt.s32 v2, $0x0  }
0x167: {  	vm13 =	vlt.u32 v2, $0x100;
	v2 =	vnsel vm12, $0x0, v2  }
0x168: {  	v2 =	vmin.u32 v2, $0xFF;
	_ =	sdelay $0x4  }
0x169: {  	[tilespmem:v2+s31+$0x0] =	vst.idx.msk vm13, v63  }
0x16a: {  	v2 =	vld [tilespmem:$0x390];
	_ =	sdelay $0x4  }
0x16b: {  	v2 =	vsub.s32 v2, v0  }
0x16c: {  	vm14 =	vgt.s32 v2, $0x0  }
0x16d: {  	vm15 =	vlt.u32 v2, $0x100;
	v2 =	vnsel vm14, $0x0, v2  }
0x16e: {  	v2 =	vmin.u32 v2, $0xFF;
	_ =	sdelay $0x4  }
0x16f: {  	[tilespmem:v2+s31+$0x0] =	vst.idx.msk vm15, v63  }
0x170: {  	v2 =	vld [tilespmem:$0x3A0];
	_ =	sdelay $0x4  }
0x171: {  	v2 =	vsub.s32 v2, v0  }
0x172: {  	vm4 =	vgt.s32 v2, $0x0  }
0x173: {  	vm5 =	vlt.u32 v2, $0x100;
	v2 =	vnsel vm4, $0x0, v2  }
0x174: {  	v2 =	vmin.u32 v2, $0xFF;
	_ =	sdelay $0x4  }
0x175: {  	[tilespmem:v2+s31+$0x0] =	vst.idx.msk vm5, v63  }
0x176: {  	v2 =	vld [tilespmem:$0x3B0];
	_ =	sdelay $0x4  }
0x177: {  	v2 =	vsub.s32 v2, v0  }
0x178: {  	vm6 =	vgt.s32 v2, $0x0  }
0x179: {  	vm7 =	vlt.u32 v2, $0x100;
	v2 =	vnsel vm6, $0x0, v2  }
0x17a: {  	v2 =	vmin.u32 v2, $0xFF;
	_ =	sdelay $0x4  }
0x17b: {  	[tilespmem:v2+s31+$0x0] =	vst.idx.msk vm7, v63  }
0x17c: {  	v2 =	vld [tilespmem:$0x3C0];
	_ =	sdelay $0x4  }
0x17d: {  	v2 =	vsub.s32 v2, v0  }
0x17e: {  	vm8 =	vgt.s32 v2, $0x0  }
0x17f: {  	vm9 =	vlt.u32 v2, $0x100;
	v2 =	vnsel vm8, $0x0, v2  }
0x180: {  	v2 =	vmin.u32 v2, $0xFF;
	_ =	sdelay $0x4  }
0x181: {  	[tilespmem:v2+s31+$0x0] =	vst.idx.msk vm9, v63  }
0x182: {  	v2 =	vld [tilespmem:$0x3D0];
	_ =	sdelay $0x4  }
0x183: {  	v2 =	vsub.s32 v2, v0  }
0x184: {  	vm10 =	vgt.s32 v2, $0x0  }
0x185: {  	vm11 =	vlt.u32 v2, $0x100;
	v2 =	vnsel vm10, $0x0, v2  }
0x186: {  	v2 =	vmin.u32 v2, $0xFF;
	_ =	sdelay $0x4  }
0x187: {  	[tilespmem:v2+s31+$0x0] =	vst.idx.msk vm11, v63  }
0x188: {  	v2 =	vld [tilespmem:$0x3E0];
	_ =	sdelay $0x4  }
0x189: {  	v2 =	vsub.s32 v2, v0  }
0x18a: {  	vm12 =	vgt.s32 v2, $0x0  }
0x18b: {  	vm13 =	vlt.u32 v2, $0x100;
	v2 =	vnsel vm12, $0x0, v2  }
0x18c: {  	v2 =	vmin.u32 v2, $0xFF;
	_ =	sdelay $0x4  }
0x18d: {  	[tilespmem:v2+s31+$0x0] =	vst.idx.msk vm13, v63  }
0x18e: {  	v2 =	vld [tilespmem:$0x3F0];
	_ =	sdelay $0x4  }
0x18f: {  	v0 =	vsub.s32 v2, v0  }
0x190: {  	vm14 =	vgt.s32 v0, $0x0  }
0x191: {  	vm15 =	vlt.u32 v0, $0x100;
	v0 =	vnsel vm14, $0x0, v0  }
0x192: {  	v0 =	vmin.u32 v0, $0xFF;
	_ =	sdelay $0x3  }
0x193: {  	s6 =	sshll.u32 s4, $0x5  }
0x194: {  	s1 =	sadd.s32 s1, s6;
	[tilespmem:v0+s31+$0x0] =	vst.idx.msk vm15, v63  }
0x195: {  	[hbm4b:s1+s2] =	stream.linear.scatter [tilespmem:s31], [sflag:$0x1], $0x100, $0x38;
	[tilespmem:$0x500] =	vst v63  }
0x196: {  	_ =	swait.ge [sflag:s30], $0x100  }
0x197: {  	[sflag:s30] =	ssyncset.done $0x0  }
0x198: {  	[sflag:s30] =	ssyncadd.s32 $0xFFFFFF00  }
0x199: {  	_ =	sfence.sel $0x180000  }
0x19a: {  	[bflag:$0x0] =	sbarrier.arrive $0xFFFF  }
0x19b: {  	p0 =	sne.s32 s4, $0x0;
	_ =	strace $0x90000047  }
0x19c: {  	s0 =	sadd.s32 @!p0 $0x100000, s0;
	[bflag:$0x2] =	sbarrier.arrive $0xFFFF  }
0x19d: {  	[sflag:s0] =	ssyncadd.tile.s32 @!p0 $0x1;
	_ =	shalt  }
.Lfunc_end2:
_tile_overlayer_lowered:
.L_overlay_start_2:
0x19e: {  	(tag) =	ssettag $0x2  }
0x19f: {  	s0 =	rddreg [dreg:$0x0];
	s2 =	stileid.u32  }
0x1a0: {  	s1 =	rddreg [dreg:$0x1];
	p0 =	sne.s32 s2, $0x0  }
0x1a1: {  	s3 =	rddreg [dreg:$0x2];
	[bflag:$0x3] =	sbarrier.arrive $0xFFFF;
	s2 =	simm.s32 @!p0 $0x1C01  }
0x1a2: {  	[timem:s3], [sflag:s2] =	dma.local @!p0 [hbm:s0], s1  }
0x1a3: {  	s0 =	simm.s32 @!p0 $0x1  }
0x1a4: {  	_ =	swait.ge @!p0 [sflag:s0], s1  }
0x1a5: {  	s1 =	ssub.s32 @!p0 $0x0, s1;
	[sflag:s0] =	ssyncset.done @!p0 $0x0  }
0x1a6: {  	[sflag:s0] =	ssyncadd.s32 @!p0 s1  }
0x1a7: {  	[bflag:$0x3] =	sbarrier.arrive $0xFFFF  }
0x1a8: {  	_ =	shalt  }

</sc_bundles>
